<compile_context>
chip_gen: v7x
topology: tpu7x:2x2x1
jax: 0.10.2.dev20260603
libtpu: 0.0.44.dev20260713+nightly
codegen_flags: <defaults>
</compile_context>

<pallas_src>
import functools

import jax
import jax.numpy as jnp
from jax import lax
from jax.experimental import pallas as pl
from jax.experimental.pallas import tpu as pltpu
from jax.experimental.pallas import tpu_sc as plsc

_R = 8
_NBUF = 6


def kernel(x):
    B, N, D = x.shape
    M = B * N
    xf = x.reshape(M, D)
    NW = 32
    rows_per_w = M // NW
    n_chunks = rows_per_w // _R
    mesh = plsc.VectorSubcoreMesh(core_axis_name="c", subcore_axis_name="s")

    @functools.partial(
        pl.kernel,
        mesh=mesh,
        out_type=jax.ShapeDtypeStruct((M, D), jnp.float32),
        scratch_types=[
            pltpu.VMEM((rows_per_w,), jnp.int32),
            pltpu.VMEM((_NBUF, _R, D), jnp.float32),
        ]
        + [pltpu.SemaphoreType.DMA] * (2 * _NBUF),
    )
    def k(x_hbm, out_hbm, idx_flat, rows_v, *sems):
        gsems, wsems = sems[:_NBUF], sems[_NBUF:]
        wid = lax.axis_index("s") * 2 + lax.axis_index("c")
        base = wid * rows_per_w
        src0 = 2 * (base // N) * N + N - 1 - base

        def fill(i, _):
            idx_flat[pl.ds(i * 16, 16)] = (
                jnp.full((16,), src0 - i * 16, jnp.int32) - lax.iota(jnp.int32, 16)
            )
            return 0

        lax.fori_loop(0, rows_per_w // 16, fill, 0)

        def buf(slot):
            return rows_v.at[slot]

        def start_gather(t, slot):
            pltpu.async_copy(
                x_hbm.at[idx_flat.at[pl.ds(t * _R, _R)]], buf(slot), gsems[slot]
            )

        def wait_gather(slot):
            pltpu.make_async_copy(
                x_hbm.at[idx_flat.at[pl.ds(0, _R)]], buf(slot), gsems[slot]
            ).wait()

        def start_write(t, slot):
            pltpu.async_copy(
                buf(slot), out_hbm.at[pl.ds(base + t * _R, _R)], wsems[slot]
            )

        def wait_write(slot):
            pltpu.make_async_copy(
                buf(slot), out_hbm.at[pl.ds(base, _R)], wsems[slot]
            ).wait()

        for s in range(_NBUF - 1):
            start_gather(s, s)

        def main_body(step, _):
            for u in range(_NBUF):
                t = step * _NBUF + u
                slot = u

                @pl.when(t < n_chunks)
                def _():
                    wait_gather(slot)
                    start_write(t, slot)
                    t2 = t + _NBUF - 1
                    slot2 = (u + _NBUF - 1) % _NBUF

                    @pl.when(t2 < n_chunks)
                    def _():
                        @pl.when(t2 >= _NBUF)
                        def _():
                            wait_write(slot2)

                        start_gather(t2, slot2)

            return 0

        nsteps = (n_chunks + _NBUF - 1) // _NBUF
        lax.fori_loop(0, nsteps, main_body, 0)
        for s in range(_NBUF):
            if any(t % _NBUF == s for t in range(max(0, n_chunks - _NBUF), n_chunks)):
                wait_write(s)

    return k(xf).reshape(B, N, D)

# --- scband reference (transcript-rebuilt; emitter-appended) ---
"""Pipeline reference for scband-permute-24799141167618 (READ-ONLY COPY).

The authoritative reference and input builder live on the scoring server;
editing this copy changes nothing except your own understanding.
"""

import jax, jax.numpy as jnp
import numpy as np


def setup_inputs(seed: int = 0) -> dict:
    key = jax.random.key(seed)
    x = jax.random.normal(key, (4, 8192, 2048), dtype=jnp.float32)
    return {"x": x}


def reference(x) -> jnp.ndarray:
    # Permute module with dim=1 and create_perm_func(n) = arange(n-1, -1, -1)
    # (a deterministic reversal permutation), applied via index_select.
    dim = 1
    n = x.shape[dim]
    perm = jnp.arange(n - 1, -1, -1, dtype=jnp.int32)
    return jnp.take(x, perm, axis=dim)

if __name__ == "__main__":
    import jax
    _d = setup_inputs()
    print(jax.jit(kernel)(*tuple(_d.values())))

</pallas_src>

<mosaic_0001>
#map = affine_map<(d0, d1) -> (0, 0)>
module attributes {stable_mosaic.version = 14 : i64} {
  func.func @k(%arg0: i32, %arg1: i32, %arg2: memref<32768x2048xf32, #tpu.memory_space<hbm>>, %arg3: memref<32768x2048xf32, #tpu.memory_space<hbm>>, %arg4: memref<1024xi32, #tpu.memory_space<vmem>>, %arg5: memref<6x8x2048xf32, #tpu.memory_space<vmem>>, %arg6: memref<!tpu.dma_semaphore, #tpu.memory_space<semaphore_mem>>, %arg7: memref<!tpu.dma_semaphore, #tpu.memory_space<semaphore_mem>>, %arg8: memref<!tpu.dma_semaphore, #tpu.memory_space<semaphore_mem>>, %arg9: memref<!tpu.dma_semaphore, #tpu.memory_space<semaphore_mem>>, %arg10: memref<!tpu.dma_semaphore, #tpu.memory_space<semaphore_mem>>, %arg11: memref<!tpu.dma_semaphore, #tpu.memory_space<semaphore_mem>>, %arg12: memref<!tpu.dma_semaphore, #tpu.memory_space<semaphore_mem>>, %arg13: memref<!tpu.dma_semaphore, #tpu.memory_space<semaphore_mem>>, %arg14: memref<!tpu.dma_semaphore, #tpu.memory_space<semaphore_mem>>, %arg15: memref<!tpu.dma_semaphore, #tpu.memory_space<semaphore_mem>>, %arg16: memref<!tpu.dma_semaphore, #tpu.memory_space<semaphore_mem>>, %arg17: memref<!tpu.dma_semaphore, #tpu.memory_space<semaphore_mem>>) attributes {dimension_semantics = [#tpu.dimension_semantics<core_parallel>, #tpu.dimension_semantics<subcore_parallel>], iteration_bounds = array<i64: 2, 16>, scalar_prefetch = 0 : i64, scratch_operands = 14 : i64, tpu.core_type = #tpu.core_type<sc_vector_subcore>, window_params = [{transform_indices = #map}, {transform_indices = #map}]} {
    %mul3A = arith.constant 2 : i32
    %mul3A_0 = arith.muli %arg1, %mul3A : i32
    %add3A = arith.addi %mul3A_0, %arg0 : i32
    %mul3A_1 = arith.constant 1024 : i32
    %mul3A_2 = arith.muli %add3A, %mul3A_1 : i32
    %jit3A = arith.constant 8192 : i32
    %div3A = arith.divsi %mul3A_2, %jit3A : i32
    %sign3A = arith.constant 0 : i32
    %sign3A_3 = arith.cmpi sgt, %mul3A_2, %sign3A : i32
    %sign3A_4 = arith.extui %sign3A_3 : i1 to i32
    %sign3A_5 = arith.constant 0 : i32
    %sign3A_6 = arith.cmpi slt, %mul3A_2, %sign3A_5 : i32
    %sign3A_7 = arith.extui %sign3A_6 : i1 to i32
    %sign3A_8 = arith.subi %sign3A_4, %sign3A_7 : i32
    %sign3A_9 = arith.constant 0 : i32
    %sign3A_10 = arith.cmpi sgt, %jit3A, %sign3A_9 : i32
    %sign3A_11 = arith.extui %sign3A_10 : i1 to i32
    %sign3A_12 = arith.constant 0 : i32
    %sign3A_13 = arith.cmpi slt, %jit3A, %sign3A_12 : i32
    %sign3A_14 = arith.extui %sign3A_13 : i1 to i32
    %sign3A_15 = arith.subi %sign3A_11, %sign3A_14 : i32
    %ne3A = arith.cmpi ne, %sign3A_8, %sign3A_15 : i32
    %rem3A = arith.remsi %mul3A_2, %jit3A : i32
    %ne3A_16 = arith.constant 0 : i32
    %ne3A_17 = arith.cmpi ne, %rem3A, %ne3A_16 : i32
    %and3A = arith.andi %ne3A, %ne3A_17 : i1
    %sub3A = arith.constant 1 : i32
    %sub3A_18 = arith.subi %div3A, %sub3A : i32
    %select_n3A = arith.select %and3A, %sub3A_18, %div3A : i32
    %mul3A_19 = arith.constant 2 : i32
    %mul3A_20 = arith.muli %mul3A_19, %select_n3A : i32
    %mul3A_21 = arith.constant 8192 : i32
    %mul3A_22 = arith.muli %mul3A_20, %mul3A_21 : i32
    %add3A_23 = arith.constant 8192 : i32
    %add3A_24 = arith.addi %mul3A_22, %add3A_23 : i32
    %sub3A_25 = arith.constant 1 : i32
    %sub3A_26 = arith.subi %add3A_24, %sub3A_25 : i32
    %sub3A_27 = arith.subi %sub3A_26, %mul3A_2 : i32
    %scan3A = arith.constant 0 : i32
    %scan3A_28 = arith.constant 0 : i32
    %scan3A_29 = arith.constant 64 : i32
    %scan3A_30 = arith.addi %scan3A_28, %scan3A_29 : i32
    %scan3A_31 = arith.constant 1 : i32
    %scan3A_32 = scf.for %scan3A_167 = %scan3A_28 to %scan3A_30 step %scan3A_31 iter_args(%scan3A_168 = %scan3A) -> (i32)  : i32 {
      %mul3A_169 = arith.constant 16 : i32
      %mul3A_170 = arith.muli %scan3A_167, %mul3A_169 : i32
      %sub3A_171 = arith.subi %sub3A_27, %mul3A_170 : i32
      %broadcast_in_dim3A = vector.broadcast %sub3A_171 : i32 to vector<16xi32>
      %iota3A = tpu.iota {dimensions = array<i32: 0>} : vector<16xi32>
      %sub3A_172 = arith.subi %broadcast_in_dim3A, %iota3A : vector<16xi32>
      %mul3A_173 = arith.constant 16 : i32
      %mul3A_174 = arith.muli %scan3A_167, %mul3A_173 : i32
      %swap3A = arith.index_cast %mul3A_174 : i32 to index
      %swap3A_175 = tpu.vector_load %arg4[%swap3A] {strides = array<i32>} : memref<1024xi32, #tpu.memory_space<vmem>>, vector<16xi32>,
      %swap3A_176 = vector.shape_cast %swap3A_175 : vector<16xi32> to vector<16xi32>
      %swap3A_177 = vector.shape_cast %sub3A_172 : vector<16xi32> to vector<16xi32>
      tpu.vector_store %arg4[%swap3A], %swap3A_177 {strides = array<i32>} : memref<1024xi32, #tpu.memory_space<vmem>>, vector<16xi32>,
      %scan3A_178 = arith.constant 0 : i32
      scf.yield %scan3A_178 : i32
    }
    %scan3A_33 = arith.constant 64 : i32
    %dma_start3A = arith.constant 0 : i32
    %dma_start3A_34 = arith.constant 0 : i32
    %dma_start3A_35 = arith.constant 0 : i32
    %dma_start3A_36 = tpu.memref_slice %arg5[%dma_start3A, %dma_start3A_34, %dma_start3A_35] : memref<6x8x2048xf32, #tpu.memory_space<vmem>> -> memref<1x8x2048xf32, #tpu.memory_space<vmem>>
    %dma_start3A_37 = tpu.memref_squeeze %dma_start3A_36 : memref<1x8x2048xf32, #tpu.memory_space<vmem>> -> memref<8x2048xf32, #tpu.memory_space<vmem>>
    %dma_start3A_38 = arith.constant 0 : i32
    %dma_start3A_39 = tpu.memref_slice %arg4[%dma_start3A_38] : memref<1024xi32, #tpu.memory_space<vmem>> -> memref<8xi32, #tpu.memory_space<vmem>>
    %dma_start3A_40 = arith.constant 0 : i32
    %dma_start3A_41 = arith.constant 0 : i32
    %dma_start3A_42 = tpu.memref_slice %arg2[%dma_start3A_40, %dma_start3A_41] : memref<32768x2048xf32, #tpu.memory_space<hbm>> -> memref<32768x2048xf32, #tpu.memory_space<hbm>>
    tpu.enqueue_indirect_dma source(%dma_start3A_42 : memref<32768x2048xf32, #tpu.memory_space<hbm>>) target(%dma_start3A_37 : memref<8x2048xf32, #tpu.memory_space<vmem>>) offsets(%dma_start3A_39 : memref<8xi32, #tpu.memory_space<vmem>>) semaphore(%arg6 : memref<!tpu.dma_semaphore, #tpu.memory_space<semaphore_mem>>)
    %dma_start3A_43 = arith.constant 1 : i32
    %dma_start3A_44 = arith.constant 0 : i32
    %dma_start3A_45 = arith.constant 0 : i32
    %dma_start3A_46 = tpu.memref_slice %arg5[%dma_start3A_43, %dma_start3A_44, %dma_start3A_45] : memref<6x8x2048xf32, #tpu.memory_space<vmem>> -> memref<1x8x2048xf32, #tpu.memory_space<vmem>>
    %dma_start3A_47 = tpu.memref_squeeze %dma_start3A_46 : memref<1x8x2048xf32, #tpu.memory_space<vmem>> -> memref<8x2048xf32, #tpu.memory_space<vmem>>
    %dma_start3A_48 = arith.constant 8 : i32
    %dma_start3A_49 = tpu.memref_slice %arg4[%dma_start3A_48] : memref<1024xi32, #tpu.memory_space<vmem>> -> memref<8xi32, #tpu.memory_space<vmem>>
    %dma_start3A_50 = arith.constant 0 : i32
    %dma_start3A_51 = arith.constant 0 : i32
    %dma_start3A_52 = tpu.memref_slice %arg2[%dma_start3A_50, %dma_start3A_51] : memref<32768x2048xf32, #tpu.memory_space<hbm>> -> memref<32768x2048xf32, #tpu.memory_space<hbm>>
    tpu.enqueue_indirect_dma source(%dma_start3A_52 : memref<32768x2048xf32, #tpu.memory_space<hbm>>) target(%dma_start3A_47 : memref<8x2048xf32, #tpu.memory_space<vmem>>) offsets(%dma_start3A_49 : memref<8xi32, #tpu.memory_space<vmem>>) semaphore(%arg7 : memref<!tpu.dma_semaphore, #tpu.memory_space<semaphore_mem>>)
    %dma_start3A_53 = arith.constant 2 : i32
    %dma_start3A_54 = arith.constant 0 : i32
    %dma_start3A_55 = arith.constant 0 : i32
    %dma_start3A_56 = tpu.memref_slice %arg5[%dma_start3A_53, %dma_start3A_54, %dma_start3A_55] : memref<6x8x2048xf32, #tpu.memory_space<vmem>> -> memref<1x8x2048xf32, #tpu.memory_space<vmem>>
    %dma_start3A_57 = tpu.memref_squeeze %dma_start3A_56 : memref<1x8x2048xf32, #tpu.memory_space<vmem>> -> memref<8x2048xf32, #tpu.memory_space<vmem>>
    %dma_start3A_58 = arith.constant 16 : i32
    %dma_start3A_59 = tpu.memref_slice %arg4[%dma_start3A_58] : memref<1024xi32, #tpu.memory_space<vmem>> -> memref<8xi32, #tpu.memory_space<vmem>>
    %dma_start3A_60 = arith.constant 0 : i32
    %dma_start3A_61 = arith.constant 0 : i32
    %dma_start3A_62 = tpu.memref_slice %arg2[%dma_start3A_60, %dma_start3A_61] : memref<32768x2048xf32, #tpu.memory_space<hbm>> -> memref<32768x2048xf32, #tpu.memory_space<hbm>>
    tpu.enqueue_indirect_dma source(%dma_start3A_62 : memref<32768x2048xf32, #tpu.memory_space<hbm>>) target(%dma_start3A_57 : memref<8x2048xf32, #tpu.memory_space<vmem>>) offsets(%dma_start3A_59 : memref<8xi32, #tpu.memory_space<vmem>>) semaphore(%arg8 : memref<!tpu.dma_semaphore, #tpu.memory_space<semaphore_mem>>)
    %dma_start3A_63 = arith.constant 3 : i32
    %dma_start3A_64 = arith.constant 0 : i32
    %dma_start3A_65 = arith.constant 0 : i32
    %dma_start3A_66 = tpu.memref_slice %arg5[%dma_start3A_63, %dma_start3A_64, %dma_start3A_65] : memref<6x8x2048xf32, #tpu.memory_space<vmem>> -> memref<1x8x2048xf32, #tpu.memory_space<vmem>>
    %dma_start3A_67 = tpu.memref_squeeze %dma_start3A_66 : memref<1x8x2048xf32, #tpu.memory_space<vmem>> -> memref<8x2048xf32, #tpu.memory_space<vmem>>
    %dma_start3A_68 = arith.constant 24 : i32
    %dma_start3A_69 = tpu.memref_slice %arg4[%dma_start3A_68] : memref<1024xi32, #tpu.memory_space<vmem>> -> memref<8xi32, #tpu.memory_space<vmem>>
    %dma_start3A_70 = arith.constant 0 : i32
    %dma_start3A_71 = arith.constant 0 : i32
    %dma_start3A_72 = tpu.memref_slice %arg2[%dma_start3A_70, %dma_start3A_71] : memref<32768x2048xf32, #tpu.memory_space<hbm>> -> memref<32768x2048xf32, #tpu.memory_space<hbm>>
    tpu.enqueue_indirect_dma source(%dma_start3A_72 : memref<32768x2048xf32, #tpu.memory_space<hbm>>) target(%dma_start3A_67 : memref<8x2048xf32, #tpu.memory_space<vmem>>) offsets(%dma_start3A_69 : memref<8xi32, #tpu.memory_space<vmem>>) semaphore(%arg9 : memref<!tpu.dma_semaphore, #tpu.memory_space<semaphore_mem>>)
    %dma_start3A_73 = arith.constant 4 : i32
    %dma_start3A_74 = arith.constant 0 : i32
    %dma_start3A_75 = arith.constant 0 : i32
    %dma_start3A_76 = tpu.memref_slice %arg5[%dma_start3A_73, %dma_start3A_74, %dma_start3A_75] : memref<6x8x2048xf32, #tpu.memory_space<vmem>> -> memref<1x8x2048xf32, #tpu.memory_space<vmem>>
    %dma_start3A_77 = tpu.memref_squeeze %dma_start3A_76 : memref<1x8x2048xf32, #tpu.memory_space<vmem>> -> memref<8x2048xf32, #tpu.memory_space<vmem>>
    %dma_start3A_78 = arith.constant 32 : i32
    %dma_start3A_79 = tpu.memref_slice %arg4[%dma_start3A_78] : memref<1024xi32, #tpu.memory_space<vmem>> -> memref<8xi32, #tpu.memory_space<vmem>>
    %dma_start3A_80 = arith.constant 0 : i32
    %dma_start3A_81 = arith.constant 0 : i32
    %dma_start3A_82 = tpu.memref_slice %arg2[%dma_start3A_80, %dma_start3A_81] : memref<32768x2048xf32, #tpu.memory_space<hbm>> -> memref<32768x2048xf32, #tpu.memory_space<hbm>>
    tpu.enqueue_indirect_dma source(%dma_start3A_82 : memref<32768x2048xf32, #tpu.memory_space<hbm>>) target(%dma_start3A_77 : memref<8x2048xf32, #tpu.memory_space<vmem>>) offsets(%dma_start3A_79 : memref<8xi32, #tpu.memory_space<vmem>>) semaphore(%arg10 : memref<!tpu.dma_semaphore, #tpu.memory_space<semaphore_mem>>)
    %scan3A_83 = arith.constant 0 : i32
    %scan3A_84 = arith.constant 0 : i32
    %scan3A_85 = arith.constant 22 : i32
    %scan3A_86 = arith.addi %scan3A_84, %scan3A_85 : i32
    %scan3A_87 = arith.constant 1 : i32
    %scan3A_88 = scf.for %scan3A_167 = %scan3A_84 to %scan3A_86 step %scan3A_87 iter_args(%scan3A_168 = %scan3A_83) -> (i32)  : i32 {
      %mul3A_169 = arith.constant 6 : i32
      %mul3A_170 = arith.muli %scan3A_167, %mul3A_169 : i32
      %add3A_171 = arith.constant 0 : i32
      %add3A_172 = arith.addi %mul3A_170, %add3A_171 : i32
      %lt3A = arith.constant 128 : i32
      %lt3A_173 = arith.cmpi slt, %add3A_172, %lt3A : i32
      %convert_element_type3A = arith.extui %lt3A_173 : i1 to i32
      %cond3A = arith.constant 0 : i32
      %cond3A_174 = arith.cmpi ne, %convert_element_type3A, %cond3A : i32
      scf.if %cond3A_174 {
        %dma_wait3A_221 = arith.constant 0 : i32
        %dma_wait3A_222 = arith.constant 0 : i32
        %dma_wait3A_223 = arith.constant 0 : i32
        %dma_wait3A_224 = tpu.memref_slice %arg5[%dma_wait3A_221, %dma_wait3A_222, %dma_wait3A_223] : memref<6x8x2048xf32, #tpu.memory_space<vmem>> -> memref<1x8x2048xf32, #tpu.memory_space<vmem>>
        %dma_wait3A_225 = tpu.memref_squeeze %dma_wait3A_224 : memref<1x8x2048xf32, #tpu.memory_space<vmem>> -> memref<8x2048xf32, #tpu.memory_space<vmem>>
        %dma_wait3A_226 = arith.constant 0 : i32
        %dma_wait3A_227 = tpu.memref_slice %arg4[%dma_wait3A_226] : memref<1024xi32, #tpu.memory_space<vmem>> -> memref<8xi32, #tpu.memory_space<vmem>>
        %dma_wait3A_228 = arith.constant 0 : i32
        %dma_wait3A_229 = arith.constant 0 : i32
        %dma_wait3A_230 = tpu.memref_slice %arg2[%dma_wait3A_228, %dma_wait3A_229] : memref<32768x2048xf32, #tpu.memory_space<hbm>> -> memref<32768x2048xf32, #tpu.memory_space<hbm>>
        tpu.wait_indirect_dma semaphore(%arg6 : memref<!tpu.dma_semaphore, #tpu.memory_space<semaphore_mem>>) src(%dma_wait3A_230 : memref<32768x2048xf32, #tpu.memory_space<hbm>>) dst(%dma_wait3A_225 : memref<8x2048xf32, #tpu.memory_space<vmem>>)
        %mul3A_231 = arith.constant 8 : i32
        %mul3A_232 = arith.muli %add3A_172, %mul3A_231 : i32
        %add3A_233 = arith.addi %mul3A_2, %mul3A_232 : i32
        %dma_start3A_234 = arith.constant 0 : i32
        %dma_start3A_235 = arith.constant 0 : i32
        %dma_start3A_236 = arith.constant 0 : i32
        %dma_start3A_237 = tpu.memref_slice %arg5[%dma_start3A_234, %dma_start3A_235, %dma_start3A_236] : memref<6x8x2048xf32, #tpu.memory_space<vmem>> -> memref<1x8x2048xf32, #tpu.memory_space<vmem>>
        %dma_start3A_238 = tpu.memref_squeeze %dma_start3A_237 : memref<1x8x2048xf32, #tpu.memory_space<vmem>> -> memref<8x2048xf32, #tpu.memory_space<vmem>>
        %dma_start3A_239 = arith.constant 0 : i32
        %dma_start3A_240 = tpu.memref_slice %arg3[%add3A_233, %dma_start3A_239] : memref<32768x2048xf32, #tpu.memory_space<hbm>> -> memref<8x2048xf32, #tpu.memory_space<hbm>>
        %dma_start3A_241 = arith.constant 0 : i32
        %dma_start3A_242 = tpu.memref_slice %arg3[%add3A_233, %dma_start3A_241] : memref<32768x2048xf32, #tpu.memory_space<hbm>> -> memref<8x2048xf32, #tpu.memory_space<hbm>>
        %dma_start3A_243 = arith.constant 0 : i32
        %dma_start3A_244 = arith.constant 0 : i32
        %dma_start3A_245 = tpu.memref_slice %arg5[%dma_start3A_234, %dma_start3A_243, %dma_start3A_244] : memref<6x8x2048xf32, #tpu.memory_space<vmem>> -> memref<1x8x2048xf32, #tpu.memory_space<vmem>>
        %dma_start3A_246 = tpu.memref_squeeze %dma_start3A_245 : memref<1x8x2048xf32, #tpu.memory_space<vmem>> -> memref<8x2048xf32, #tpu.memory_space<vmem>>
        tpu.enqueue_dma source(%dma_start3A_246 : memref<8x2048xf32, #tpu.memory_space<vmem>>) target(%dma_start3A_242 : memref<8x2048xf32, #tpu.memory_space<hbm>>) target_semaphore(%arg12 : memref<!tpu.dma_semaphore, #tpu.memory_space<semaphore_mem>>)
        %add3A_247 = arith.constant 6 : i32
        %add3A_248 = arith.addi %add3A_172, %add3A_247 : i32
        %sub3A_249 = arith.constant 1 : i32
        %sub3A_250 = arith.subi %add3A_248, %sub3A_249 : i32
        %lt3A_251 = arith.constant 128 : i32
        %lt3A_252 = arith.cmpi slt, %sub3A_250, %lt3A_251 : i32
        %convert_element_type3A_253 = arith.extui %lt3A_252 : i1 to i32
        %cond3A_254 = arith.constant 0 : i32
        %cond3A_255 = arith.cmpi ne, %convert_element_type3A_253, %cond3A_254 : i32
        scf.if %cond3A_255 {
          %ge3A = arith.constant 6 : i32
          %ge3A_256 = arith.cmpi sge, %sub3A_250, %ge3A : i32
          %convert_element_type3A_257 = arith.extui %ge3A_256 : i1 to i32
          %cond3A_258 = arith.constant 0 : i32
          %cond3A_259 = arith.cmpi ne, %convert_element_type3A_257, %cond3A_258 : i32
          scf.if %cond3A_259 {
            %dma_wait3A_271 = arith.constant 5 : i32
            %dma_wait3A_272 = arith.constant 0 : i32
            %dma_wait3A_273 = arith.constant 0 : i32
            %dma_wait3A_274 = tpu.memref_slice %arg5[%dma_wait3A_271, %dma_wait3A_272, %dma_wait3A_273] : memref<6x8x2048xf32, #tpu.memory_space<vmem>> -> memref<1x8x2048xf32, #tpu.memory_space<vmem>>
            %dma_wait3A_275 = tpu.memref_squeeze %dma_wait3A_274 : memref<1x8x2048xf32, #tpu.memory_space<vmem>> -> memref<8x2048xf32, #tpu.memory_space<vmem>>
            %dma_wait3A_276 = arith.constant 0 : i32
            %dma_wait3A_277 = tpu.memref_slice %arg3[%mul3A_2, %dma_wait3A_276] : memref<32768x2048xf32, #tpu.memory_space<hbm>> -> memref<8x2048xf32, #tpu.memory_space<hbm>>
            %dma_wait3A_278 = arith.constant 0 : i32
            %dma_wait3A_279 = tpu.memref_slice %arg3[%mul3A_2, %dma_wait3A_278] : memref<32768x2048xf32, #tpu.memory_space<hbm>> -> memref<8x2048xf32, #tpu.memory_space<hbm>>
            %dma_wait3A_280 = arith.constant 0 : i32
            %dma_wait3A_281 = arith.constant 0 : i32
            %dma_wait3A_282 = tpu.memref_slice %arg5[%dma_wait3A_271, %dma_wait3A_280, %dma_wait3A_281] : memref<6x8x2048xf32, #tpu.memory_space<vmem>> -> memref<1x8x2048xf32, #tpu.memory_space<vmem>>
            %dma_wait3A_283 = tpu.memref_squeeze %dma_wait3A_282 : memref<1x8x2048xf32, #tpu.memory_space<vmem>> -> memref<8x2048xf32, #tpu.memory_space<vmem>>
            tpu.wait_dma2 semaphore(%arg17 : memref<!tpu.dma_semaphore, #tpu.memory_space<semaphore_mem>>) src(%dma_wait3A_283 : memref<8x2048xf32, #tpu.memory_space<vmem>>) dst(%dma_wait3A_279 : memref<8x2048xf32, #tpu.memory_space<hbm>>)
          } else {
          }
          %mul3A_260 = arith.constant 8 : i32
          %mul3A_261 = arith.muli %sub3A_250, %mul3A_260 : i32
          %dma_start3A_262 = arith.constant 5 : i32
          %dma_start3A_263 = arith.constant 0 : i32
          %dma_start3A_264 = arith.constant 0 : i32
          %dma_start3A_265 = tpu.memref_slice %arg5[%dma_start3A_262, %dma_start3A_263, %dma_start3A_264] : memref<6x8x2048xf32, #tpu.memory_space<vmem>> -> memref<1x8x2048xf32, #tpu.memory_space<vmem>>
          %dma_start3A_266 = tpu.memref_squeeze %dma_start3A_265 : memref<1x8x2048xf32, #tpu.memory_space<vmem>> -> memref<8x2048xf32, #tpu.memory_space<vmem>>
          %dma_start3A_267 = tpu.memref_slice %arg4[%mul3A_261] : memref<1024xi32, #tpu.memory_space<vmem>> -> memref<8xi32, #tpu.memory_space<vmem>>
          %dma_start3A_268 = arith.constant 0 : i32
          %dma_start3A_269 = arith.constant 0 : i32
          %dma_start3A_270 = tpu.memref_slice %arg2[%dma_start3A_268, %dma_start3A_269] : memref<32768x2048xf32, #tpu.memory_space<hbm>> -> memref<32768x2048xf32, #tpu.memory_space<hbm>>
          tpu.enqueue_indirect_dma source(%dma_start3A_270 : memref<32768x2048xf32, #tpu.memory_space<hbm>>) target(%dma_start3A_266 : memref<8x2048xf32, #tpu.memory_space<vmem>>) offsets(%dma_start3A_267 : memref<8xi32, #tpu.memory_space<vmem>>) semaphore(%arg11 : memref<!tpu.dma_semaphore, #tpu.memory_space<semaphore_mem>>)
        } else {
        }
      } else {
      }
      %mul3A_175 = arith.constant 6 : i32
      %mul3A_176 = arith.muli %scan3A_167, %mul3A_175 : i32
      %add3A_177 = arith.constant 1 : i32
      %add3A_178 = arith.addi %mul3A_176, %add3A_177 : i32
      %lt3A_179 = arith.constant 128 : i32
      %lt3A_180 = arith.cmpi slt, %add3A_178, %lt3A_179 : i32
      %convert_element_type3A_181 = arith.extui %lt3A_180 : i1 to i32
      %cond3A_182 = arith.constant 0 : i32
      %cond3A_183 = arith.cmpi ne, %convert_element_type3A_181, %cond3A_182 : i32
      scf.if %cond3A_183 {
        %dma_wait3A_221 = arith.constant 1 : i32
        %dma_wait3A_222 = arith.constant 0 : i32
        %dma_wait3A_223 = arith.constant 0 : i32
        %dma_wait3A_224 = tpu.memref_slice %arg5[%dma_wait3A_221, %dma_wait3A_222, %dma_wait3A_223] : memref<6x8x2048xf32, #tpu.memory_space<vmem>> -> memref<1x8x2048xf32, #tpu.memory_space<vmem>>
        %dma_wait3A_225 = tpu.memref_squeeze %dma_wait3A_224 : memref<1x8x2048xf32, #tpu.memory_space<vmem>> -> memref<8x2048xf32, #tpu.memory_space<vmem>>
        %dma_wait3A_226 = arith.constant 0 : i32
        %dma_wait3A_227 = tpu.memref_slice %arg4[%dma_wait3A_226] : memref<1024xi32, #tpu.memory_space<vmem>> -> memref<8xi32, #tpu.memory_space<vmem>>
        %dma_wait3A_228 = arith.constant 0 : i32
        %dma_wait3A_229 = arith.constant 0 : i32
        %dma_wait3A_230 = tpu.memref_slice %arg2[%dma_wait3A_228, %dma_wait3A_229] : memref<32768x2048xf32, #tpu.memory_space<hbm>> -> memref<32768x2048xf32, #tpu.memory_space<hbm>>
        tpu.wait_indirect_dma semaphore(%arg7 : memref<!tpu.dma_semaphore, #tpu.memory_space<semaphore_mem>>) src(%dma_wait3A_230 : memref<32768x2048xf32, #tpu.memory_space<hbm>>) dst(%dma_wait3A_225 : memref<8x2048xf32, #tpu.memory_space<vmem>>)
        %mul3A_231 = arith.constant 8 : i32
        %mul3A_232 = arith.muli %add3A_178, %mul3A_231 : i32
        %add3A_233 = arith.addi %mul3A_2, %mul3A_232 : i32
        %dma_start3A_234 = arith.constant 1 : i32
        %dma_start3A_235 = arith.constant 0 : i32
        %dma_start3A_236 = arith.constant 0 : i32
        %dma_start3A_237 = tpu.memref_slice %arg5[%dma_start3A_234, %dma_start3A_235, %dma_start3A_236] : memref<6x8x2048xf32, #tpu.memory_space<vmem>> -> memref<1x8x2048xf32, #tpu.memory_space<vmem>>
        %dma_start3A_238 = tpu.memref_squeeze %dma_start3A_237 : memref<1x8x2048xf32, #tpu.memory_space<vmem>> -> memref<8x2048xf32, #tpu.memory_space<vmem>>
        %dma_start3A_239 = arith.constant 0 : i32
        %dma_start3A_240 = tpu.memref_slice %arg3[%add3A_233, %dma_start3A_239] : memref<32768x2048xf32, #tpu.memory_space<hbm>> -> memref<8x2048xf32, #tpu.memory_space<hbm>>
        %dma_start3A_241 = arith.constant 0 : i32
        %dma_start3A_242 = tpu.memref_slice %arg3[%add3A_233, %dma_start3A_241] : memref<32768x2048xf32, #tpu.memory_space<hbm>> -> memref<8x2048xf32, #tpu.memory_space<hbm>>
        %dma_start3A_243 = arith.constant 0 : i32
        %dma_start3A_244 = arith.constant 0 : i32
        %dma_start3A_245 = tpu.memref_slice %arg5[%dma_start3A_234, %dma_start3A_243, %dma_start3A_244] : memref<6x8x2048xf32, #tpu.memory_space<vmem>> -> memref<1x8x2048xf32, #tpu.memory_space<vmem>>
        %dma_start3A_246 = tpu.memref_squeeze %dma_start3A_245 : memref<1x8x2048xf32, #tpu.memory_space<vmem>> -> memref<8x2048xf32, #tpu.memory_space<vmem>>
        tpu.enqueue_dma source(%dma_start3A_246 : memref<8x2048xf32, #tpu.memory_space<vmem>>) target(%dma_start3A_242 : memref<8x2048xf32, #tpu.memory_space<hbm>>) target_semaphore(%arg13 : memref<!tpu.dma_semaphore, #tpu.memory_space<semaphore_mem>>)
        %add3A_247 = arith.constant 6 : i32
        %add3A_248 = arith.addi %add3A_178, %add3A_247 : i32
        %sub3A_249 = arith.constant 1 : i32
        %sub3A_250 = arith.subi %add3A_248, %sub3A_249 : i32
        %lt3A_251 = arith.constant 128 : i32
        %lt3A_252 = arith.cmpi slt, %sub3A_250, %lt3A_251 : i32
        %convert_element_type3A_253 = arith.extui %lt3A_252 : i1 to i32
        %cond3A_254 = arith.constant 0 : i32
        %cond3A_255 = arith.cmpi ne, %convert_element_type3A_253, %cond3A_254 : i32
        scf.if %cond3A_255 {
          %ge3A = arith.constant 6 : i32
          %ge3A_256 = arith.cmpi sge, %sub3A_250, %ge3A : i32
          %convert_element_type3A_257 = arith.extui %ge3A_256 : i1 to i32
          %cond3A_258 = arith.constant 0 : i32
          %cond3A_259 = arith.cmpi ne, %convert_element_type3A_257, %cond3A_258 : i32
          scf.if %cond3A_259 {
            %dma_wait3A_271 = arith.constant 0 : i32
            %dma_wait3A_272 = arith.constant 0 : i32
            %dma_wait3A_273 = arith.constant 0 : i32
            %dma_wait3A_274 = tpu.memref_slice %arg5[%dma_wait3A_271, %dma_wait3A_272, %dma_wait3A_273] : memref<6x8x2048xf32, #tpu.memory_space<vmem>> -> memref<1x8x2048xf32, #tpu.memory_space<vmem>>
            %dma_wait3A_275 = tpu.memref_squeeze %dma_wait3A_274 : memref<1x8x2048xf32, #tpu.memory_space<vmem>> -> memref<8x2048xf32, #tpu.memory_space<vmem>>
            %dma_wait3A_276 = arith.constant 0 : i32
            %dma_wait3A_277 = tpu.memref_slice %arg3[%mul3A_2, %dma_wait3A_276] : memref<32768x2048xf32, #tpu.memory_space<hbm>> -> memref<8x2048xf32, #tpu.memory_space<hbm>>
            %dma_wait3A_278 = arith.constant 0 : i32
            %dma_wait3A_279 = tpu.memref_slice %arg3[%mul3A_2, %dma_wait3A_278] : memref<32768x2048xf32, #tpu.memory_space<hbm>> -> memref<8x2048xf32, #tpu.memory_space<hbm>>
            %dma_wait3A_280 = arith.constant 0 : i32
            %dma_wait3A_281 = arith.constant 0 : i32
            %dma_wait3A_282 = tpu.memref_slice %arg5[%dma_wait3A_271, %dma_wait3A_280, %dma_wait3A_281] : memref<6x8x2048xf32, #tpu.memory_space<vmem>> -> memref<1x8x2048xf32, #tpu.memory_space<vmem>>
            %dma_wait3A_283 = tpu.memref_squeeze %dma_wait3A_282 : memref<1x8x2048xf32, #tpu.memory_space<vmem>> -> memref<8x2048xf32, #tpu.memory_space<vmem>>
            tpu.wait_dma2 semaphore(%arg12 : memref<!tpu.dma_semaphore, #tpu.memory_space<semaphore_mem>>) src(%dma_wait3A_283 : memref<8x2048xf32, #tpu.memory_space<vmem>>) dst(%dma_wait3A_279 : memref<8x2048xf32, #tpu.memory_space<hbm>>)
          } else {
          }
          %mul3A_260 = arith.constant 8 : i32
          %mul3A_261 = arith.muli %sub3A_250, %mul3A_260 : i32
          %dma_start3A_262 = arith.constant 0 : i32
          %dma_start3A_263 = arith.constant 0 : i32
          %dma_start3A_264 = arith.constant 0 : i32
          %dma_start3A_265 = tpu.memref_slice %arg5[%dma_start3A_262, %dma_start3A_263, %dma_start3A_264] : memref<6x8x2048xf32, #tpu.memory_space<vmem>> -> memref<1x8x2048xf32, #tpu.memory_space<vmem>>
          %dma_start3A_266 = tpu.memref_squeeze %dma_start3A_265 : memref<1x8x2048xf32, #tpu.memory_space<vmem>> -> memref<8x2048xf32, #tpu.memory_space<vmem>>
          %dma_start3A_267 = tpu.memref_slice %arg4[%mul3A_261] : memref<1024xi32, #tpu.memory_space<vmem>> -> memref<8xi32, #tpu.memory_space<vmem>>
          %dma_start3A_268 = arith.constant 0 : i32
          %dma_start3A_269 = arith.constant 0 : i32
          %dma_start3A_270 = tpu.memref_slice %arg2[%dma_start3A_268, %dma_start3A_269] : memref<32768x2048xf32, #tpu.memory_space<hbm>> -> memref<32768x2048xf32, #tpu.memory_space<hbm>>
          tpu.enqueue_indirect_dma source(%dma_start3A_270 : memref<32768x2048xf32, #tpu.memory_space<hbm>>) target(%dma_start3A_266 : memref<8x2048xf32, #tpu.memory_space<vmem>>) offsets(%dma_start3A_267 : memref<8xi32, #tpu.memory_space<vmem>>) semaphore(%arg6 : memref<!tpu.dma_semaphore, #tpu.memory_space<semaphore_mem>>)
        } else {
        }
      } else {
      }
      %mul3A_184 = arith.constant 6 : i32
      %mul3A_185 = arith.muli %scan3A_167, %mul3A_184 : i32
      %add3A_186 = arith.constant 2 : i32
      %add3A_187 = arith.addi %mul3A_185, %add3A_186 : i32
      %lt3A_188 = arith.constant 128 : i32
      %lt3A_189 = arith.cmpi slt, %add3A_187, %lt3A_188 : i32
      %convert_element_type3A_190 = arith.extui %lt3A_189 : i1 to i32
      %cond3A_191 = arith.constant 0 : i32
      %cond3A_192 = arith.cmpi ne, %convert_element_type3A_190, %cond3A_191 : i32
      scf.if %cond3A_192 {
        %dma_wait3A_221 = arith.constant 2 : i32
        %dma_wait3A_222 = arith.constant 0 : i32
        %dma_wait3A_223 = arith.constant 0 : i32
        %dma_wait3A_224 = tpu.memref_slice %arg5[%dma_wait3A_221, %dma_wait3A_222, %dma_wait3A_223] : memref<6x8x2048xf32, #tpu.memory_space<vmem>> -> memref<1x8x2048xf32, #tpu.memory_space<vmem>>
        %dma_wait3A_225 = tpu.memref_squeeze %dma_wait3A_224 : memref<1x8x2048xf32, #tpu.memory_space<vmem>> -> memref<8x2048xf32, #tpu.memory_space<vmem>>
        %dma_wait3A_226 = arith.constant 0 : i32
        %dma_wait3A_227 = tpu.memref_slice %arg4[%dma_wait3A_226] : memref<1024xi32, #tpu.memory_space<vmem>> -> memref<8xi32, #tpu.memory_space<vmem>>
        %dma_wait3A_228 = arith.constant 0 : i32
        %dma_wait3A_229 = arith.constant 0 : i32
        %dma_wait3A_230 = tpu.memref_slice %arg2[%dma_wait3A_228, %dma_wait3A_229] : memref<32768x2048xf32, #tpu.memory_space<hbm>> -> memref<32768x2048xf32, #tpu.memory_space<hbm>>
        tpu.wait_indirect_dma semaphore(%arg8 : memref<!tpu.dma_semaphore, #tpu.memory_space<semaphore_mem>>) src(%dma_wait3A_230 : memref<32768x2048xf32, #tpu.memory_space<hbm>>) dst(%dma_wait3A_225 : memref<8x2048xf32, #tpu.memory_space<vmem>>)
        %mul3A_231 = arith.constant 8 : i32
        %mul3A_232 = arith.muli %add3A_187, %mul3A_231 : i32
        %add3A_233 = arith.addi %mul3A_2, %mul3A_232 : i32
        %dma_start3A_234 = arith.constant 2 : i32
        %dma_start3A_235 = arith.constant 0 : i32
        %dma_start3A_236 = arith.constant 0 : i32
        %dma_start3A_237 = tpu.memref_slice %arg5[%dma_start3A_234, %dma_start3A_235, %dma_start3A_236] : memref<6x8x2048xf32, #tpu.memory_space<vmem>> -> memref<1x8x2048xf32, #tpu.memory_space<vmem>>
        %dma_start3A_238 = tpu.memref_squeeze %dma_start3A_237 : memref<1x8x2048xf32, #tpu.memory_space<vmem>> -> memref<8x2048xf32, #tpu.memory_space<vmem>>
        %dma_start3A_239 = arith.constant 0 : i32
        %dma_start3A_240 = tpu.memref_slice %arg3[%add3A_233, %dma_start3A_239] : memref<32768x2048xf32, #tpu.memory_space<hbm>> -> memref<8x2048xf32, #tpu.memory_space<hbm>>
        %dma_start3A_241 = arith.constant 0 : i32
        %dma_start3A_242 = tpu.memref_slice %arg3[%add3A_233, %dma_start3A_241] : memref<32768x2048xf32, #tpu.memory_space<hbm>> -> memref<8x2048xf32, #tpu.memory_space<hbm>>
        %dma_start3A_243 = arith.constant 0 : i32
        %dma_start3A_244 = arith.constant 0 : i32
        %dma_start3A_245 = tpu.memref_slice %arg5[%dma_start3A_234, %dma_start3A_243, %dma_start3A_244] : memref<6x8x2048xf32, #tpu.memory_space<vmem>> -> memref<1x8x2048xf32, #tpu.memory_space<vmem>>
        %dma_start3A_246 = tpu.memref_squeeze %dma_start3A_245 : memref<1x8x2048xf32, #tpu.memory_space<vmem>> -> memref<8x2048xf32, #tpu.memory_space<vmem>>
        tpu.enqueue_dma source(%dma_start3A_246 : memref<8x2048xf32, #tpu.memory_space<vmem>>) target(%dma_start3A_242 : memref<8x2048xf32, #tpu.memory_space<hbm>>) target_semaphore(%arg14 : memref<!tpu.dma_semaphore, #tpu.memory_space<semaphore_mem>>)
        %add3A_247 = arith.constant 6 : i32
        %add3A_248 = arith.addi %add3A_187, %add3A_247 : i32
        %sub3A_249 = arith.constant 1 : i32
        %sub3A_250 = arith.subi %add3A_248, %sub3A_249 : i32
        %lt3A_251 = arith.constant 128 : i32
        %lt3A_252 = arith.cmpi slt, %sub3A_250, %lt3A_251 : i32
        %convert_element_type3A_253 = arith.extui %lt3A_252 : i1 to i32
        %cond3A_254 = arith.constant 0 : i32
        %cond3A_255 = arith.cmpi ne, %convert_element_type3A_253, %cond3A_254 : i32
        scf.if %cond3A_255 {
          %ge3A = arith.constant 6 : i32
          %ge3A_256 = arith.cmpi sge, %sub3A_250, %ge3A : i32
          %convert_element_type3A_257 = arith.extui %ge3A_256 : i1 to i32
          %cond3A_258 = arith.constant 0 : i32
          %cond3A_259 = arith.cmpi ne, %convert_element_type3A_257, %cond3A_258 : i32
          scf.if %cond3A_259 {
            %dma_wait3A_271 = arith.constant 1 : i32
            %dma_wait3A_272 = arith.constant 0 : i32
            %dma_wait3A_273 = arith.constant 0 : i32
            %dma_wait3A_274 = tpu.memref_slice %arg5[%dma_wait3A_271, %dma_wait3A_272, %dma_wait3A_273] : memref<6x8x2048xf32, #tpu.memory_space<vmem>> -> memref<1x8x2048xf32, #tpu.memory_space<vmem>>
            %dma_wait3A_275 = tpu.memref_squeeze %dma_wait3A_274 : memref<1x8x2048xf32, #tpu.memory_space<vmem>> -> memref<8x2048xf32, #tpu.memory_space<vmem>>
            %dma_wait3A_276 = arith.constant 0 : i32
            %dma_wait3A_277 = tpu.memref_slice %arg3[%mul3A_2, %dma_wait3A_276] : memref<32768x2048xf32, #tpu.memory_space<hbm>> -> memref<8x2048xf32, #tpu.memory_space<hbm>>
            %dma_wait3A_278 = arith.constant 0 : i32
            %dma_wait3A_279 = tpu.memref_slice %arg3[%mul3A_2, %dma_wait3A_278] : memref<32768x2048xf32, #tpu.memory_space<hbm>> -> memref<8x2048xf32, #tpu.memory_space<hbm>>
            %dma_wait3A_280 = arith.constant 0 : i32
            %dma_wait3A_281 = arith.constant 0 : i32
            %dma_wait3A_282 = tpu.memref_slice %arg5[%dma_wait3A_271, %dma_wait3A_280, %dma_wait3A_281] : memref<6x8x2048xf32, #tpu.memory_space<vmem>> -> memref<1x8x2048xf32, #tpu.memory_space<vmem>>
            %dma_wait3A_283 = tpu.memref_squeeze %dma_wait3A_282 : memref<1x8x2048xf32, #tpu.memory_space<vmem>> -> memref<8x2048xf32, #tpu.memory_space<vmem>>
            tpu.wait_dma2 semaphore(%arg13 : memref<!tpu.dma_semaphore, #tpu.memory_space<semaphore_mem>>) src(%dma_wait3A_283 : memref<8x2048xf32, #tpu.memory_space<vmem>>) dst(%dma_wait3A_279 : memref<8x2048xf32, #tpu.memory_space<hbm>>)
          } else {
          }
          %mul3A_260 = arith.constant 8 : i32
          %mul3A_261 = arith.muli %sub3A_250, %mul3A_260 : i32
          %dma_start3A_262 = arith.constant 1 : i32
          %dma_start3A_263 = arith.constant 0 : i32
          %dma_start3A_264 = arith.constant 0 : i32
          %dma_start3A_265 = tpu.memref_slice %arg5[%dma_start3A_262, %dma_start3A_263, %dma_start3A_264] : memref<6x8x2048xf32, #tpu.memory_space<vmem>> -> memref<1x8x2048xf32, #tpu.memory_space<vmem>>
          %dma_start3A_266 = tpu.memref_squeeze %dma_start3A_265 : memref<1x8x2048xf32, #tpu.memory_space<vmem>> -> memref<8x2048xf32, #tpu.memory_space<vmem>>
          %dma_start3A_267 = tpu.memref_slice %arg4[%mul3A_261] : memref<1024xi32, #tpu.memory_space<vmem>> -> memref<8xi32, #tpu.memory_space<vmem>>
          %dma_start3A_268 = arith.constant 0 : i32
          %dma_start3A_269 = arith.constant 0 : i32
          %dma_start3A_270 = tpu.memref_slice %arg2[%dma_start3A_268, %dma_start3A_269] : memref<32768x2048xf32, #tpu.memory_space<hbm>> -> memref<32768x2048xf32, #tpu.memory_space<hbm>>
          tpu.enqueue_indirect_dma source(%dma_start3A_270 : memref<32768x2048xf32, #tpu.memory_space<hbm>>) target(%dma_start3A_266 : memref<8x2048xf32, #tpu.memory_space<vmem>>) offsets(%dma_start3A_267 : memref<8xi32, #tpu.memory_space<vmem>>) semaphore(%arg7 : memref<!tpu.dma_semaphore, #tpu.memory_space<semaphore_mem>>)
        } else {
        }
      } else {
      }
      %mul3A_193 = arith.constant 6 : i32
      %mul3A_194 = arith.muli %scan3A_167, %mul3A_193 : i32
      %add3A_195 = arith.constant 3 : i32
      %add3A_196 = arith.addi %mul3A_194, %add3A_195 : i32
      %lt3A_197 = arith.constant 128 : i32
      %lt3A_198 = arith.cmpi slt, %add3A_196, %lt3A_197 : i32
      %convert_element_type3A_199 = arith.extui %lt3A_198 : i1 to i32
      %cond3A_200 = arith.constant 0 : i32
      %cond3A_201 = arith.cmpi ne, %convert_element_type3A_199, %cond3A_200 : i32
      scf.if %cond3A_201 {
        %dma_wait3A_221 = arith.constant 3 : i32
        %dma_wait3A_222 = arith.constant 0 : i32
        %dma_wait3A_223 = arith.constant 0 : i32
        %dma_wait3A_224 = tpu.memref_slice %arg5[%dma_wait3A_221, %dma_wait3A_222, %dma_wait3A_223] : memref<6x8x2048xf32, #tpu.memory_space<vmem>> -> memref<1x8x2048xf32, #tpu.memory_space<vmem>>
        %dma_wait3A_225 = tpu.memref_squeeze %dma_wait3A_224 : memref<1x8x2048xf32, #tpu.memory_space<vmem>> -> memref<8x2048xf32, #tpu.memory_space<vmem>>
        %dma_wait3A_226 = arith.constant 0 : i32
        %dma_wait3A_227 = tpu.memref_slice %arg4[%dma_wait3A_226] : memref<1024xi32, #tpu.memory_space<vmem>> -> memref<8xi32, #tpu.memory_space<vmem>>
        %dma_wait3A_228 = arith.constant 0 : i32
        %dma_wait3A_229 = arith.constant 0 : i32
        %dma_wait3A_230 = tpu.memref_slice %arg2[%dma_wait3A_228, %dma_wait3A_229] : memref<32768x2048xf32, #tpu.memory_space<hbm>> -> memref<32768x2048xf32, #tpu.memory_space<hbm>>
        tpu.wait_indirect_dma semaphore(%arg9 : memref<!tpu.dma_semaphore, #tpu.memory_space<semaphore_mem>>) src(%dma_wait3A_230 : memref<32768x2048xf32, #tpu.memory_space<hbm>>) dst(%dma_wait3A_225 : memref<8x2048xf32, #tpu.memory_space<vmem>>)
        %mul3A_231 = arith.constant 8 : i32
        %mul3A_232 = arith.muli %add3A_196, %mul3A_231 : i32
        %add3A_233 = arith.addi %mul3A_2, %mul3A_232 : i32
        %dma_start3A_234 = arith.constant 3 : i32
        %dma_start3A_235 = arith.constant 0 : i32
        %dma_start3A_236 = arith.constant 0 : i32
        %dma_start3A_237 = tpu.memref_slice %arg5[%dma_start3A_234, %dma_start3A_235, %dma_start3A_236] : memref<6x8x2048xf32, #tpu.memory_space<vmem>> -> memref<1x8x2048xf32, #tpu.memory_space<vmem>>
        %dma_start3A_238 = tpu.memref_squeeze %dma_start3A_237 : memref<1x8x2048xf32, #tpu.memory_space<vmem>> -> memref<8x2048xf32, #tpu.memory_space<vmem>>
        %dma_start3A_239 = arith.constant 0 : i32
        %dma_start3A_240 = tpu.memref_slice %arg3[%add3A_233, %dma_start3A_239] : memref<32768x2048xf32, #tpu.memory_space<hbm>> -> memref<8x2048xf32, #tpu.memory_space<hbm>>
        %dma_start3A_241 = arith.constant 0 : i32
        %dma_start3A_242 = tpu.memref_slice %arg3[%add3A_233, %dma_start3A_241] : memref<32768x2048xf32, #tpu.memory_space<hbm>> -> memref<8x2048xf32, #tpu.memory_space<hbm>>
        %dma_start3A_243 = arith.constant 0 : i32
        %dma_start3A_244 = arith.constant 0 : i32
        %dma_start3A_245 = tpu.memref_slice %arg5[%dma_start3A_234, %dma_start3A_243, %dma_start3A_244] : memref<6x8x2048xf32, #tpu.memory_space<vmem>> -> memref<1x8x2048xf32, #tpu.memory_space<vmem>>
        %dma_start3A_246 = tpu.memref_squeeze %dma_start3A_245 : memref<1x8x2048xf32, #tpu.memory_space<vmem>> -> memref<8x2048xf32, #tpu.memory_space<vmem>>
        tpu.enqueue_dma source(%dma_start3A_246 : memref<8x2048xf32, #tpu.memory_space<vmem>>) target(%dma_start3A_242 : memref<8x2048xf32, #tpu.memory_space<hbm>>) target_semaphore(%arg15 : memref<!tpu.dma_semaphore, #tpu.memory_space<semaphore_mem>>)
        %add3A_247 = arith.constant 6 : i32
        %add3A_248 = arith.addi %add3A_196, %add3A_247 : i32
        %sub3A_249 = arith.constant 1 : i32
        %sub3A_250 = arith.subi %add3A_248, %sub3A_249 : i32
        %lt3A_251 = arith.constant 128 : i32
        %lt3A_252 = arith.cmpi slt, %sub3A_250, %lt3A_251 : i32
        %convert_element_type3A_253 = arith.extui %lt3A_252 : i1 to i32
        %cond3A_254 = arith.constant 0 : i32
        %cond3A_255 = arith.cmpi ne, %convert_element_type3A_253, %cond3A_254 : i32
        scf.if %cond3A_255 {
          %ge3A = arith.constant 6 : i32
          %ge3A_256 = arith.cmpi sge, %sub3A_250, %ge3A : i32
          %convert_element_type3A_257 = arith.extui %ge3A_256 : i1 to i32
          %cond3A_258 = arith.constant 0 : i32
          %cond3A_259 = arith.cmpi ne, %convert_element_type3A_257, %cond3A_258 : i32
          scf.if %cond3A_259 {
            %dma_wait3A_271 = arith.constant 2 : i32
            %dma_wait3A_272 = arith.constant 0 : i32
            %dma_wait3A_273 = arith.constant 0 : i32
            %dma_wait3A_274 = tpu.memref_slice %arg5[%dma_wait3A_271, %dma_wait3A_272, %dma_wait3A_273] : memref<6x8x2048xf32, #tpu.memory_space<vmem>> -> memref<1x8x2048xf32, #tpu.memory_space<vmem>>
            %dma_wait3A_275 = tpu.memref_squeeze %dma_wait3A_274 : memref<1x8x2048xf32, #tpu.memory_space<vmem>> -> memref<8x2048xf32, #tpu.memory_space<vmem>>
            %dma_wait3A_276 = arith.constant 0 : i32
            %dma_wait3A_277 = tpu.memref_slice %arg3[%mul3A_2, %dma_wait3A_276] : memref<32768x2048xf32, #tpu.memory_space<hbm>> -> memref<8x2048xf32, #tpu.memory_space<hbm>>
            %dma_wait3A_278 = arith.constant 0 : i32
            %dma_wait3A_279 = tpu.memref_slice %arg3[%mul3A_2, %dma_wait3A_278] : memref<32768x2048xf32, #tpu.memory_space<hbm>> -> memref<8x2048xf32, #tpu.memory_space<hbm>>
            %dma_wait3A_280 = arith.constant 0 : i32
            %dma_wait3A_281 = arith.constant 0 : i32
            %dma_wait3A_282 = tpu.memref_slice %arg5[%dma_wait3A_271, %dma_wait3A_280, %dma_wait3A_281] : memref<6x8x2048xf32, #tpu.memory_space<vmem>> -> memref<1x8x2048xf32, #tpu.memory_space<vmem>>
            %dma_wait3A_283 = tpu.memref_squeeze %dma_wait3A_282 : memref<1x8x2048xf32, #tpu.memory_space<vmem>> -> memref<8x2048xf32, #tpu.memory_space<vmem>>
            tpu.wait_dma2 semaphore(%arg14 : memref<!tpu.dma_semaphore, #tpu.memory_space<semaphore_mem>>) src(%dma_wait3A_283 : memref<8x2048xf32, #tpu.memory_space<vmem>>) dst(%dma_wait3A_279 : memref<8x2048xf32, #tpu.memory_space<hbm>>)
          } else {
          }
          %mul3A_260 = arith.constant 8 : i32
          %mul3A_261 = arith.muli %sub3A_250, %mul3A_260 : i32
          %dma_start3A_262 = arith.constant 2 : i32
          %dma_start3A_263 = arith.constant 0 : i32
          %dma_start3A_264 = arith.constant 0 : i32
          %dma_start3A_265 = tpu.memref_slice %arg5[%dma_start3A_262, %dma_start3A_263, %dma_start3A_264] : memref<6x8x2048xf32, #tpu.memory_space<vmem>> -> memref<1x8x2048xf32, #tpu.memory_space<vmem>>
          %dma_start3A_266 = tpu.memref_squeeze %dma_start3A_265 : memref<1x8x2048xf32, #tpu.memory_space<vmem>> -> memref<8x2048xf32, #tpu.memory_space<vmem>>
          %dma_start3A_267 = tpu.memref_slice %arg4[%mul3A_261] : memref<1024xi32, #tpu.memory_space<vmem>> -> memref<8xi32, #tpu.memory_space<vmem>>
          %dma_start3A_268 = arith.constant 0 : i32
          %dma_start3A_269 = arith.constant 0 : i32
          %dma_start3A_270 = tpu.memref_slice %arg2[%dma_start3A_268, %dma_start3A_269] : memref<32768x2048xf32, #tpu.memory_space<hbm>> -> memref<32768x2048xf32, #tpu.memory_space<hbm>>
          tpu.enqueue_indirect_dma source(%dma_start3A_270 : memref<32768x2048xf32, #tpu.memory_space<hbm>>) target(%dma_start3A_266 : memref<8x2048xf32, #tpu.memory_space<vmem>>) offsets(%dma_start3A_267 : memref<8xi32, #tpu.memory_space<vmem>>) semaphore(%arg8 : memref<!tpu.dma_semaphore, #tpu.memory_space<semaphore_mem>>)
        } else {
        }
      } else {
      }
      %mul3A_202 = arith.constant 6 : i32
      %mul3A_203 = arith.muli %scan3A_167, %mul3A_202 : i32
      %add3A_204 = arith.constant 4 : i32
      %add3A_205 = arith.addi %mul3A_203, %add3A_204 : i32
      %lt3A_206 = arith.constant 128 : i32
      %lt3A_207 = arith.cmpi slt, %add3A_205, %lt3A_206 : i32
      %convert_element_type3A_208 = arith.extui %lt3A_207 : i1 to i32
      %cond3A_209 = arith.constant 0 : i32
      %cond3A_210 = arith.cmpi ne, %convert_element_type3A_208, %cond3A_209 : i32
      scf.if %cond3A_210 {
        %dma_wait3A_221 = arith.constant 4 : i32
        %dma_wait3A_222 = arith.constant 0 : i32
        %dma_wait3A_223 = arith.constant 0 : i32
        %dma_wait3A_224 = tpu.memref_slice %arg5[%dma_wait3A_221, %dma_wait3A_222, %dma_wait3A_223] : memref<6x8x2048xf32, #tpu.memory_space<vmem>> -> memref<1x8x2048xf32, #tpu.memory_space<vmem>>
        %dma_wait3A_225 = tpu.memref_squeeze %dma_wait3A_224 : memref<1x8x2048xf32, #tpu.memory_space<vmem>> -> memref<8x2048xf32, #tpu.memory_space<vmem>>
        %dma_wait3A_226 = arith.constant 0 : i32
        %dma_wait3A_227 = tpu.memref_slice %arg4[%dma_wait3A_226] : memref<1024xi32, #tpu.memory_space<vmem>> -> memref<8xi32, #tpu.memory_space<vmem>>
        %dma_wait3A_228 = arith.constant 0 : i32
        %dma_wait3A_229 = arith.constant 0 : i32
        %dma_wait3A_230 = tpu.memref_slice %arg2[%dma_wait3A_228, %dma_wait3A_229] : memref<32768x2048xf32, #tpu.memory_space<hbm>> -> memref<32768x2048xf32, #tpu.memory_space<hbm>>
        tpu.wait_indirect_dma semaphore(%arg10 : memref<!tpu.dma_semaphore, #tpu.memory_space<semaphore_mem>>) src(%dma_wait3A_230 : memref<32768x2048xf32, #tpu.memory_space<hbm>>) dst(%dma_wait3A_225 : memref<8x2048xf32, #tpu.memory_space<vmem>>)
        %mul3A_231 = arith.constant 8 : i32
        %mul3A_232 = arith.muli %add3A_205, %mul3A_231 : i32
        %add3A_233 = arith.addi %mul3A_2, %mul3A_232 : i32
        %dma_start3A_234 = arith.constant 4 : i32
        %dma_start3A_235 = arith.constant 0 : i32
        %dma_start3A_236 = arith.constant 0 : i32
        %dma_start3A_237 = tpu.memref_slice %arg5[%dma_start3A_234, %dma_start3A_235, %dma_start3A_236] : memref<6x8x2048xf32, #tpu.memory_space<vmem>> -> memref<1x8x2048xf32, #tpu.memory_space<vmem>>
        %dma_start3A_238 = tpu.memref_squeeze %dma_start3A_237 : memref<1x8x2048xf32, #tpu.memory_space<vmem>> -> memref<8x2048xf32, #tpu.memory_space<vmem>>
        %dma_start3A_239 = arith.constant 0 : i32
        %dma_start3A_240 = tpu.memref_slice %arg3[%add3A_233, %dma_start3A_239] : memref<32768x2048xf32, #tpu.memory_space<hbm>> -> memref<8x2048xf32, #tpu.memory_space<hbm>>
        %dma_start3A_241 = arith.constant 0 : i32
        %dma_start3A_242 = tpu.memref_slice %arg3[%add3A_233, %dma_start3A_241] : memref<32768x2048xf32, #tpu.memory_space<hbm>> -> memref<8x2048xf32, #tpu.memory_space<hbm>>
        %dma_start3A_243 = arith.constant 0 : i32
        %dma_start3A_244 = arith.constant 0 : i32
        %dma_start3A_245 = tpu.memref_slice %arg5[%dma_start3A_234, %dma_start3A_243, %dma_start3A_244] : memref<6x8x2048xf32, #tpu.memory_space<vmem>> -> memref<1x8x2048xf32, #tpu.memory_space<vmem>>
        %dma_start3A_246 = tpu.memref_squeeze %dma_start3A_245 : memref<1x8x2048xf32, #tpu.memory_space<vmem>> -> memref<8x2048xf32, #tpu.memory_space<vmem>>
        tpu.enqueue_dma source(%dma_start3A_246 : memref<8x2048xf32, #tpu.memory_space<vmem>>) target(%dma_start3A_242 : memref<8x2048xf32, #tpu.memory_space<hbm>>) target_semaphore(%arg16 : memref<!tpu.dma_semaphore, #tpu.memory_space<semaphore_mem>>)
        %add3A_247 = arith.constant 6 : i32
        %add3A_248 = arith.addi %add3A_205, %add3A_247 : i32
        %sub3A_249 = arith.constant 1 : i32
        %sub3A_250 = arith.subi %add3A_248, %sub3A_249 : i32
        %lt3A_251 = arith.constant 128 : i32
        %lt3A_252 = arith.cmpi slt, %sub3A_250, %lt3A_251 : i32
        %convert_element_type3A_253 = arith.extui %lt3A_252 : i1 to i32
        %cond3A_254 = arith.constant 0 : i32
        %cond3A_255 = arith.cmpi ne, %convert_element_type3A_253, %cond3A_254 : i32
        scf.if %cond3A_255 {
          %ge3A = arith.constant 6 : i32
          %ge3A_256 = arith.cmpi sge, %sub3A_250, %ge3A : i32
          %convert_element_type3A_257 = arith.extui %ge3A_256 : i1 to i32
          %cond3A_258 = arith.constant 0 : i32
          %cond3A_259 = arith.cmpi ne, %convert_element_type3A_257, %cond3A_258 : i32
          scf.if %cond3A_259 {
            %dma_wait3A_271 = arith.constant 3 : i32
            %dma_wait3A_272 = arith.constant 0 : i32
            %dma_wait3A_273 = arith.constant 0 : i32
            %dma_wait3A_274 = tpu.memref_slice %arg5[%dma_wait3A_271, %dma_wait3A_272, %dma_wait3A_273] : memref<6x8x2048xf32, #tpu.memory_space<vmem>> -> memref<1x8x2048xf32, #tpu.memory_space<vmem>>
            %dma_wait3A_275 = tpu.memref_squeeze %dma_wait3A_274 : memref<1x8x2048xf32, #tpu.memory_space<vmem>> -> memref<8x2048xf32, #tpu.memory_space<vmem>>
            %dma_wait3A_276 = arith.constant 0 : i32
            %dma_wait3A_277 = tpu.memref_slice %arg3[%mul3A_2, %dma_wait3A_276] : memref<32768x2048xf32, #tpu.memory_space<hbm>> -> memref<8x2048xf32, #tpu.memory_space<hbm>>
            %dma_wait3A_278 = arith.constant 0 : i32
            %dma_wait3A_279 = tpu.memref_slice %arg3[%mul3A_2, %dma_wait3A_278] : memref<32768x2048xf32, #tpu.memory_space<hbm>> -> memref<8x2048xf32, #tpu.memory_space<hbm>>
            %dma_wait3A_280 = arith.constant 0 : i32
            %dma_wait3A_281 = arith.constant 0 : i32
            %dma_wait3A_282 = tpu.memref_slice %arg5[%dma_wait3A_271, %dma_wait3A_280, %dma_wait3A_281] : memref<6x8x2048xf32, #tpu.memory_space<vmem>> -> memref<1x8x2048xf32, #tpu.memory_space<vmem>>
            %dma_wait3A_283 = tpu.memref_squeeze %dma_wait3A_282 : memref<1x8x2048xf32, #tpu.memory_space<vmem>> -> memref<8x2048xf32, #tpu.memory_space<vmem>>
            tpu.wait_dma2 semaphore(%arg15 : memref<!tpu.dma_semaphore, #tpu.memory_space<semaphore_mem>>) src(%dma_wait3A_283 : memref<8x2048xf32, #tpu.memory_space<vmem>>) dst(%dma_wait3A_279 : memref<8x2048xf32, #tpu.memory_space<hbm>>)
          } else {
          }
          %mul3A_260 = arith.constant 8 : i32
          %mul3A_261 = arith.muli %sub3A_250, %mul3A_260 : i32
          %dma_start3A_262 = arith.constant 3 : i32
          %dma_start3A_263 = arith.constant 0 : i32
          %dma_start3A_264 = arith.constant 0 : i32
          %dma_start3A_265 = tpu.memref_slice %arg5[%dma_start3A_262, %dma_start3A_263, %dma_start3A_264] : memref<6x8x2048xf32, #tpu.memory_space<vmem>> -> memref<1x8x2048xf32, #tpu.memory_space<vmem>>
          %dma_start3A_266 = tpu.memref_squeeze %dma_start3A_265 : memref<1x8x2048xf32, #tpu.memory_space<vmem>> -> memref<8x2048xf32, #tpu.memory_space<vmem>>
          %dma_start3A_267 = tpu.memref_slice %arg4[%mul3A_261] : memref<1024xi32, #tpu.memory_space<vmem>> -> memref<8xi32, #tpu.memory_space<vmem>>
          %dma_start3A_268 = arith.constant 0 : i32
          %dma_start3A_269 = arith.constant 0 : i32
          %dma_start3A_270 = tpu.memref_slice %arg2[%dma_start3A_268, %dma_start3A_269] : memref<32768x2048xf32, #tpu.memory_space<hbm>> -> memref<32768x2048xf32, #tpu.memory_space<hbm>>
          tpu.enqueue_indirect_dma source(%dma_start3A_270 : memref<32768x2048xf32, #tpu.memory_space<hbm>>) target(%dma_start3A_266 : memref<8x2048xf32, #tpu.memory_space<vmem>>) offsets(%dma_start3A_267 : memref<8xi32, #tpu.memory_space<vmem>>) semaphore(%arg9 : memref<!tpu.dma_semaphore, #tpu.memory_space<semaphore_mem>>)
        } else {
        }
      } else {
      }
      %mul3A_211 = arith.constant 6 : i32
      %mul3A_212 = arith.muli %scan3A_167, %mul3A_211 : i32
      %add3A_213 = arith.constant 5 : i32
      %add3A_214 = arith.addi %mul3A_212, %add3A_213 : i32
      %lt3A_215 = arith.constant 128 : i32
      %lt3A_216 = arith.cmpi slt, %add3A_214, %lt3A_215 : i32
      %convert_element_type3A_217 = arith.extui %lt3A_216 : i1 to i32
      %cond3A_218 = arith.constant 0 : i32
      %cond3A_219 = arith.cmpi ne, %convert_element_type3A_217, %cond3A_218 : i32
      scf.if %cond3A_219 {
        %dma_wait3A_221 = arith.constant 5 : i32
        %dma_wait3A_222 = arith.constant 0 : i32
        %dma_wait3A_223 = arith.constant 0 : i32
        %dma_wait3A_224 = tpu.memref_slice %arg5[%dma_wait3A_221, %dma_wait3A_222, %dma_wait3A_223] : memref<6x8x2048xf32, #tpu.memory_space<vmem>> -> memref<1x8x2048xf32, #tpu.memory_space<vmem>>
        %dma_wait3A_225 = tpu.memref_squeeze %dma_wait3A_224 : memref<1x8x2048xf32, #tpu.memory_space<vmem>> -> memref<8x2048xf32, #tpu.memory_space<vmem>>
        %dma_wait3A_226 = arith.constant 0 : i32
        %dma_wait3A_227 = tpu.memref_slice %arg4[%dma_wait3A_226] : memref<1024xi32, #tpu.memory_space<vmem>> -> memref<8xi32, #tpu.memory_space<vmem>>
        %dma_wait3A_228 = arith.constant 0 : i32
        %dma_wait3A_229 = arith.constant 0 : i32
        %dma_wait3A_230 = tpu.memref_slice %arg2[%dma_wait3A_228, %dma_wait3A_229] : memref<32768x2048xf32, #tpu.memory_space<hbm>> -> memref<32768x2048xf32, #tpu.memory_space<hbm>>
        tpu.wait_indirect_dma semaphore(%arg11 : memref<!tpu.dma_semaphore, #tpu.memory_space<semaphore_mem>>) src(%dma_wait3A_230 : memref<32768x2048xf32, #tpu.memory_space<hbm>>) dst(%dma_wait3A_225 : memref<8x2048xf32, #tpu.memory_space<vmem>>)
        %mul3A_231 = arith.constant 8 : i32
        %mul3A_232 = arith.muli %add3A_214, %mul3A_231 : i32
        %add3A_233 = arith.addi %mul3A_2, %mul3A_232 : i32
        %dma_start3A_234 = arith.constant 5 : i32
        %dma_start3A_235 = arith.constant 0 : i32
        %dma_start3A_236 = arith.constant 0 : i32
        %dma_start3A_237 = tpu.memref_slice %arg5[%dma_start3A_234, %dma_start3A_235, %dma_start3A_236] : memref<6x8x2048xf32, #tpu.memory_space<vmem>> -> memref<1x8x2048xf32, #tpu.memory_space<vmem>>
        %dma_start3A_238 = tpu.memref_squeeze %dma_start3A_237 : memref<1x8x2048xf32, #tpu.memory_space<vmem>> -> memref<8x2048xf32, #tpu.memory_space<vmem>>
        %dma_start3A_239 = arith.constant 0 : i32
        %dma_start3A_240 = tpu.memref_slice %arg3[%add3A_233, %dma_start3A_239] : memref<32768x2048xf32, #tpu.memory_space<hbm>> -> memref<8x2048xf32, #tpu.memory_space<hbm>>
        %dma_start3A_241 = arith.constant 0 : i32
        %dma_start3A_242 = tpu.memref_slice %arg3[%add3A_233, %dma_start3A_241] : memref<32768x2048xf32, #tpu.memory_space<hbm>> -> memref<8x2048xf32, #tpu.memory_space<hbm>>
        %dma_start3A_243 = arith.constant 0 : i32
        %dma_start3A_244 = arith.constant 0 : i32
        %dma_start3A_245 = tpu.memref_slice %arg5[%dma_start3A_234, %dma_start3A_243, %dma_start3A_244] : memref<6x8x2048xf32, #tpu.memory_space<vmem>> -> memref<1x8x2048xf32, #tpu.memory_space<vmem>>
        %dma_start3A_246 = tpu.memref_squeeze %dma_start3A_245 : memref<1x8x2048xf32, #tpu.memory_space<vmem>> -> memref<8x2048xf32, #tpu.memory_space<vmem>>
        tpu.enqueue_dma source(%dma_start3A_246 : memref<8x2048xf32, #tpu.memory_space<vmem>>) target(%dma_start3A_242 : memref<8x2048xf32, #tpu.memory_space<hbm>>) target_semaphore(%arg17 : memref<!tpu.dma_semaphore, #tpu.memory_space<semaphore_mem>>)
        %add3A_247 = arith.constant 6 : i32
        %add3A_248 = arith.addi %add3A_214, %add3A_247 : i32
        %sub3A_249 = arith.constant 1 : i32
        %sub3A_250 = arith.subi %add3A_248, %sub3A_249 : i32
        %lt3A_251 = arith.constant 128 : i32
        %lt3A_252 = arith.cmpi slt, %sub3A_250, %lt3A_251 : i32
        %convert_element_type3A_253 = arith.extui %lt3A_252 : i1 to i32
        %cond3A_254 = arith.constant 0 : i32
        %cond3A_255 = arith.cmpi ne, %convert_element_type3A_253, %cond3A_254 : i32
        scf.if %cond3A_255 {
          %ge3A = arith.constant 6 : i32
          %ge3A_256 = arith.cmpi sge, %sub3A_250, %ge3A : i32
          %convert_element_type3A_257 = arith.extui %ge3A_256 : i1 to i32
          %cond3A_258 = arith.constant 0 : i32
          %cond3A_259 = arith.cmpi ne, %convert_element_type3A_257, %cond3A_258 : i32
          scf.if %cond3A_259 {
            %dma_wait3A_271 = arith.constant 4 : i32
            %dma_wait3A_272 = arith.constant 0 : i32
            %dma_wait3A_273 = arith.constant 0 : i32
            %dma_wait3A_274 = tpu.memref_slice %arg5[%dma_wait3A_271, %dma_wait3A_272, %dma_wait3A_273] : memref<6x8x2048xf32, #tpu.memory_space<vmem>> -> memref<1x8x2048xf32, #tpu.memory_space<vmem>>
            %dma_wait3A_275 = tpu.memref_squeeze %dma_wait3A_274 : memref<1x8x2048xf32, #tpu.memory_space<vmem>> -> memref<8x2048xf32, #tpu.memory_space<vmem>>
            %dma_wait3A_276 = arith.constant 0 : i32
            %dma_wait3A_277 = tpu.memref_slice %arg3[%mul3A_2, %dma_wait3A_276] : memref<32768x2048xf32, #tpu.memory_space<hbm>> -> memref<8x2048xf32, #tpu.memory_space<hbm>>
            %dma_wait3A_278 = arith.constant 0 : i32
            %dma_wait3A_279 = tpu.memref_slice %arg3[%mul3A_2, %dma_wait3A_278] : memref<32768x2048xf32, #tpu.memory_space<hbm>> -> memref<8x2048xf32, #tpu.memory_space<hbm>>
            %dma_wait3A_280 = arith.constant 0 : i32
            %dma_wait3A_281 = arith.constant 0 : i32
            %dma_wait3A_282 = tpu.memref_slice %arg5[%dma_wait3A_271, %dma_wait3A_280, %dma_wait3A_281] : memref<6x8x2048xf32, #tpu.memory_space<vmem>> -> memref<1x8x2048xf32, #tpu.memory_space<vmem>>
            %dma_wait3A_283 = tpu.memref_squeeze %dma_wait3A_282 : memref<1x8x2048xf32, #tpu.memory_space<vmem>> -> memref<8x2048xf32, #tpu.memory_space<vmem>>
            tpu.wait_dma2 semaphore(%arg16 : memref<!tpu.dma_semaphore, #tpu.memory_space<semaphore_mem>>) src(%dma_wait3A_283 : memref<8x2048xf32, #tpu.memory_space<vmem>>) dst(%dma_wait3A_279 : memref<8x2048xf32, #tpu.memory_space<hbm>>)
          } else {
          }
          %mul3A_260 = arith.constant 8 : i32
          %mul3A_261 = arith.muli %sub3A_250, %mul3A_260 : i32
          %dma_start3A_262 = arith.constant 4 : i32
          %dma_start3A_263 = arith.constant 0 : i32
          %dma_start3A_264 = arith.constant 0 : i32
          %dma_start3A_265 = tpu.memref_slice %arg5[%dma_start3A_262, %dma_start3A_263, %dma_start3A_264] : memref<6x8x2048xf32, #tpu.memory_space<vmem>> -> memref<1x8x2048xf32, #tpu.memory_space<vmem>>
          %dma_start3A_266 = tpu.memref_squeeze %dma_start3A_265 : memref<1x8x2048xf32, #tpu.memory_space<vmem>> -> memref<8x2048xf32, #tpu.memory_space<vmem>>
          %dma_start3A_267 = tpu.memref_slice %arg4[%mul3A_261] : memref<1024xi32, #tpu.memory_space<vmem>> -> memref<8xi32, #tpu.memory_space<vmem>>
          %dma_start3A_268 = arith.constant 0 : i32
          %dma_start3A_269 = arith.constant 0 : i32
          %dma_start3A_270 = tpu.memref_slice %arg2[%dma_start3A_268, %dma_start3A_269] : memref<32768x2048xf32, #tpu.memory_space<hbm>> -> memref<32768x2048xf32, #tpu.memory_space<hbm>>
          tpu.enqueue_indirect_dma source(%dma_start3A_270 : memref<32768x2048xf32, #tpu.memory_space<hbm>>) target(%dma_start3A_266 : memref<8x2048xf32, #tpu.memory_space<vmem>>) offsets(%dma_start3A_267 : memref<8xi32, #tpu.memory_space<vmem>>) semaphore(%arg10 : memref<!tpu.dma_semaphore, #tpu.memory_space<semaphore_mem>>)
        } else {
        }
      } else {
      }
      %scan3A_220 = arith.constant 0 : i32
      scf.yield %scan3A_220 : i32
    }
    %scan3A_89 = arith.constant 22 : i32
    %dma_wait3A = arith.constant 0 : i32
    %dma_wait3A_90 = arith.constant 0 : i32
    %dma_wait3A_91 = arith.constant 0 : i32
    %dma_wait3A_92 = tpu.memref_slice %arg5[%dma_wait3A, %dma_wait3A_90, %dma_wait3A_91] : memref<6x8x2048xf32, #tpu.memory_space<vmem>> -> memref<1x8x2048xf32, #tpu.memory_space<vmem>>
    %dma_wait3A_93 = tpu.memref_squeeze %dma_wait3A_92 : memref<1x8x2048xf32, #tpu.memory_space<vmem>> -> memref<8x2048xf32, #tpu.memory_space<vmem>>
    %dma_wait3A_94 = arith.constant 0 : i32
    %dma_wait3A_95 = tpu.memref_slice %arg3[%mul3A_2, %dma_wait3A_94] : memref<32768x2048xf32, #tpu.memory_space<hbm>> -> memref<8x2048xf32, #tpu.memory_space<hbm>>
    %dma_wait3A_96 = arith.constant 0 : i32
    %dma_wait3A_97 = tpu.memref_slice %arg3[%mul3A_2, %dma_wait3A_96] : memref<32768x2048xf32, #tpu.memory_space<hbm>> -> memref<8x2048xf32, #tpu.memory_space<hbm>>
    %dma_wait3A_98 = arith.constant 0 : i32
    %dma_wait3A_99 = arith.constant 0 : i32
    %dma_wait3A_100 = tpu.memref_slice %arg5[%dma_wait3A, %dma_wait3A_98, %dma_wait3A_99] : memref<6x8x2048xf32, #tpu.memory_space<vmem>> -> memref<1x8x2048xf32, #tpu.memory_space<vmem>>
    %dma_wait3A_101 = tpu.memref_squeeze %dma_wait3A_100 : memref<1x8x2048xf32, #tpu.memory_space<vmem>> -> memref<8x2048xf32, #tpu.memory_space<vmem>>
    tpu.wait_dma2 semaphore(%arg12 : memref<!tpu.dma_semaphore, #tpu.memory_space<semaphore_mem>>) src(%dma_wait3A_101 : memref<8x2048xf32, #tpu.memory_space<vmem>>) dst(%dma_wait3A_97 : memref<8x2048xf32, #tpu.memory_space<hbm>>)
    %dma_wait3A_102 = arith.constant 1 : i32
    %dma_wait3A_103 = arith.constant 0 : i32
    %dma_wait3A_104 = arith.constant 0 : i32
    %dma_wait3A_105 = tpu.memref_slice %arg5[%dma_wait3A_102, %dma_wait3A_103, %dma_wait3A_104] : memref<6x8x2048xf32, #tpu.memory_space<vmem>> -> memref<1x8x2048xf32, #tpu.memory_space<vmem>>
    %dma_wait3A_106 = tpu.memref_squeeze %dma_wait3A_105 : memref<1x8x2048xf32, #tpu.memory_space<vmem>> -> memref<8x2048xf32, #tpu.memory_space<vmem>>
    %dma_wait3A_107 = arith.constant 0 : i32
    %dma_wait3A_108 = tpu.memref_slice %arg3[%mul3A_2, %dma_wait3A_107] : memref<32768x2048xf32, #tpu.memory_space<hbm>> -> memref<8x2048xf32, #tpu.memory_space<hbm>>
    %dma_wait3A_109 = arith.constant 0 : i32
    %dma_wait3A_110 = tpu.memref_slice %arg3[%mul3A_2, %dma_wait3A_109] : memref<32768x2048xf32, #tpu.memory_space<hbm>> -> memref<8x2048xf32, #tpu.memory_space<hbm>>
    %dma_wait3A_111 = arith.constant 0 : i32
    %dma_wait3A_112 = arith.constant 0 : i32
    %dma_wait3A_113 = tpu.memref_slice %arg5[%dma_wait3A_102, %dma_wait3A_111, %dma_wait3A_112] : memref<6x8x2048xf32, #tpu.memory_space<vmem>> -> memref<1x8x2048xf32, #tpu.memory_space<vmem>>
    %dma_wait3A_114 = tpu.memref_squeeze %dma_wait3A_113 : memref<1x8x2048xf32, #tpu.memory_space<vmem>> -> memref<8x2048xf32, #tpu.memory_space<vmem>>
    tpu.wait_dma2 semaphore(%arg13 : memref<!tpu.dma_semaphore, #tpu.memory_space<semaphore_mem>>) src(%dma_wait3A_114 : memref<8x2048xf32, #tpu.memory_space<vmem>>) dst(%dma_wait3A_110 : memref<8x2048xf32, #tpu.memory_space<hbm>>)
    %dma_wait3A_115 = arith.constant 2 : i32
    %dma_wait3A_116 = arith.constant 0 : i32
    %dma_wait3A_117 = arith.constant 0 : i32
    %dma_wait3A_118 = tpu.memref_slice %arg5[%dma_wait3A_115, %dma_wait3A_116, %dma_wait3A_117] : memref<6x8x2048xf32, #tpu.memory_space<vmem>> -> memref<1x8x2048xf32, #tpu.memory_space<vmem>>
    %dma_wait3A_119 = tpu.memref_squeeze %dma_wait3A_118 : memref<1x8x2048xf32, #tpu.memory_space<vmem>> -> memref<8x2048xf32, #tpu.memory_space<vmem>>
    %dma_wait3A_120 = arith.constant 0 : i32
    %dma_wait3A_121 = tpu.memref_slice %arg3[%mul3A_2, %dma_wait3A_120] : memref<32768x2048xf32, #tpu.memory_space<hbm>> -> memref<8x2048xf32, #tpu.memory_space<hbm>>
    %dma_wait3A_122 = arith.constant 0 : i32
    %dma_wait3A_123 = tpu.memref_slice %arg3[%mul3A_2, %dma_wait3A_122] : memref<32768x2048xf32, #tpu.memory_space<hbm>> -> memref<8x2048xf32, #tpu.memory_space<hbm>>
    %dma_wait3A_124 = arith.constant 0 : i32
    %dma_wait3A_125 = arith.constant 0 : i32
    %dma_wait3A_126 = tpu.memref_slice %arg5[%dma_wait3A_115, %dma_wait3A_124, %dma_wait3A_125] : memref<6x8x2048xf32, #tpu.memory_space<vmem>> -> memref<1x8x2048xf32, #tpu.memory_space<vmem>>
    %dma_wait3A_127 = tpu.memref_squeeze %dma_wait3A_126 : memref<1x8x2048xf32, #tpu.memory_space<vmem>> -> memref<8x2048xf32, #tpu.memory_space<vmem>>
    tpu.wait_dma2 semaphore(%arg14 : memref<!tpu.dma_semaphore, #tpu.memory_space<semaphore_mem>>) src(%dma_wait3A_127 : memref<8x2048xf32, #tpu.memory_space<vmem>>) dst(%dma_wait3A_123 : memref<8x2048xf32, #tpu.memory_space<hbm>>)
    %dma_wait3A_128 = arith.constant 3 : i32
    %dma_wait3A_129 = arith.constant 0 : i32
    %dma_wait3A_130 = arith.constant 0 : i32
    %dma_wait3A_131 = tpu.memref_slice %arg5[%dma_wait3A_128, %dma_wait3A_129, %dma_wait3A_130] : memref<6x8x2048xf32, #tpu.memory_space<vmem>> -> memref<1x8x2048xf32, #tpu.memory_space<vmem>>
    %dma_wait3A_132 = tpu.memref_squeeze %dma_wait3A_131 : memref<1x8x2048xf32, #tpu.memory_space<vmem>> -> memref<8x2048xf32, #tpu.memory_space<vmem>>
    %dma_wait3A_133 = arith.constant 0 : i32
    %dma_wait3A_134 = tpu.memref_slice %arg3[%mul3A_2, %dma_wait3A_133] : memref<32768x2048xf32, #tpu.memory_space<hbm>> -> memref<8x2048xf32, #tpu.memory_space<hbm>>
    %dma_wait3A_135 = arith.constant 0 : i32
    %dma_wait3A_136 = tpu.memref_slice %arg3[%mul3A_2, %dma_wait3A_135] : memref<32768x2048xf32, #tpu.memory_space<hbm>> -> memref<8x2048xf32, #tpu.memory_space<hbm>>
    %dma_wait3A_137 = arith.constant 0 : i32
    %dma_wait3A_138 = arith.constant 0 : i32
    %dma_wait3A_139 = tpu.memref_slice %arg5[%dma_wait3A_128, %dma_wait3A_137, %dma_wait3A_138] : memref<6x8x2048xf32, #tpu.memory_space<vmem>> -> memref<1x8x2048xf32, #tpu.memory_space<vmem>>
    %dma_wait3A_140 = tpu.memref_squeeze %dma_wait3A_139 : memref<1x8x2048xf32, #tpu.memory_space<vmem>> -> memref<8x2048xf32, #tpu.memory_space<vmem>>
    tpu.wait_dma2 semaphore(%arg15 : memref<!tpu.dma_semaphore, #tpu.memory_space<semaphore_mem>>) src(%dma_wait3A_140 : memref<8x2048xf32, #tpu.memory_space<vmem>>) dst(%dma_wait3A_136 : memref<8x2048xf32, #tpu.memory_space<hbm>>)
    %dma_wait3A_141 = arith.constant 4 : i32
    %dma_wait3A_142 = arith.constant 0 : i32
    %dma_wait3A_143 = arith.constant 0 : i32
    %dma_wait3A_144 = tpu.memref_slice %arg5[%dma_wait3A_141, %dma_wait3A_142, %dma_wait3A_143] : memref<6x8x2048xf32, #tpu.memory_space<vmem>> -> memref<1x8x2048xf32, #tpu.memory_space<vmem>>
    %dma_wait3A_145 = tpu.memref_squeeze %dma_wait3A_144 : memref<1x8x2048xf32, #tpu.memory_space<vmem>> -> memref<8x2048xf32, #tpu.memory_space<vmem>>
    %dma_wait3A_146 = arith.constant 0 : i32
    %dma_wait3A_147 = tpu.memref_slice %arg3[%mul3A_2, %dma_wait3A_146] : memref<32768x2048xf32, #tpu.memory_space<hbm>> -> memref<8x2048xf32, #tpu.memory_space<hbm>>
    %dma_wait3A_148 = arith.constant 0 : i32
    %dma_wait3A_149 = tpu.memref_slice %arg3[%mul3A_2, %dma_wait3A_148] : memref<32768x2048xf32, #tpu.memory_space<hbm>> -> memref<8x2048xf32, #tpu.memory_space<hbm>>
    %dma_wait3A_150 = arith.constant 0 : i32
    %dma_wait3A_151 = arith.constant 0 : i32
    %dma_wait3A_152 = tpu.memref_slice %arg5[%dma_wait3A_141, %dma_wait3A_150, %dma_wait3A_151] : memref<6x8x2048xf32, #tpu.memory_space<vmem>> -> memref<1x8x2048xf32, #tpu.memory_space<vmem>>
    %dma_wait3A_153 = tpu.memref_squeeze %dma_wait3A_152 : memref<1x8x2048xf32, #tpu.memory_space<vmem>> -> memref<8x2048xf32, #tpu.memory_space<vmem>>
    tpu.wait_dma2 semaphore(%arg16 : memref<!tpu.dma_semaphore, #tpu.memory_space<semaphore_mem>>) src(%dma_wait3A_153 : memref<8x2048xf32, #tpu.memory_space<vmem>>) dst(%dma_wait3A_149 : memref<8x2048xf32, #tpu.memory_space<hbm>>)
    %dma_wait3A_154 = arith.constant 5 : i32
    %dma_wait3A_155 = arith.constant 0 : i32
    %dma_wait3A_156 = arith.constant 0 : i32
    %dma_wait3A_157 = tpu.memref_slice %arg5[%dma_wait3A_154, %dma_wait3A_155, %dma_wait3A_156] : memref<6x8x2048xf32, #tpu.memory_space<vmem>> -> memref<1x8x2048xf32, #tpu.memory_space<vmem>>
    %dma_wait3A_158 = tpu.memref_squeeze %dma_wait3A_157 : memref<1x8x2048xf32, #tpu.memory_space<vmem>> -> memref<8x2048xf32, #tpu.memory_space<vmem>>
    %dma_wait3A_159 = arith.constant 0 : i32
    %dma_wait3A_160 = tpu.memref_slice %arg3[%mul3A_2, %dma_wait3A_159] : memref<32768x2048xf32, #tpu.memory_space<hbm>> -> memref<8x2048xf32, #tpu.memory_space<hbm>>
    %dma_wait3A_161 = arith.constant 0 : i32
    %dma_wait3A_162 = tpu.memref_slice %arg3[%mul3A_2, %dma_wait3A_161] : memref<32768x2048xf32, #tpu.memory_space<hbm>> -> memref<8x2048xf32, #tpu.memory_space<hbm>>
    %dma_wait3A_163 = arith.constant 0 : i32
    %dma_wait3A_164 = arith.constant 0 : i32
    %dma_wait3A_165 = tpu.memref_slice %arg5[%dma_wait3A_154, %dma_wait3A_163, %dma_wait3A_164] : memref<6x8x2048xf32, #tpu.memory_space<vmem>> -> memref<1x8x2048xf32, #tpu.memory_space<vmem>>
    %dma_wait3A_166 = tpu.memref_squeeze %dma_wait3A_165 : memref<1x8x2048xf32, #tpu.memory_space<vmem>> -> memref<8x2048xf32, #tpu.memory_space<vmem>>
    tpu.wait_dma2 semaphore(%arg17 : memref<!tpu.dma_semaphore, #tpu.memory_space<semaphore_mem>>) src(%dma_wait3A_166 : memref<8x2048xf32, #tpu.memory_space<vmem>>) dst(%dma_wait3A_162 : memref<8x2048xf32, #tpu.memory_space<hbm>>)
    return
  }
}

</mosaic_0001>

<sc_bundles>
// kernel: kernel.3.cloned.1.call-start
scs
__scs_entry_jumppad:
0x0: {  	(pc) =	sbr.rel $0x88, $3  }
0x1: {  	(tag) =	ssettag $0x0;
	lr =	simm.s32 $0x1  }
0x2: {  	[smem:$0x3FA0] =	sst lr;
	_ =	strace $0xD0000000  }
0x3: {  	_ = 	snop  }
0x4: {  	_ = 	snop  }
0x5: {  	_ = 	snop  }
0x6: {  	_ = 	snop  }
0x7: {  	_ = 	snop  }
__scs_overlays_trampoline_lowered:
0x8: {  	[smem:$0x3FAF] =	sst s0  }
0x9: {  	[smem:$0x3FB0] =	sst s1  }
0xa: {  	[smem:$0x3FB1] =	sst s2  }
0xb: {  	[smem:$0x3FB2] =	sst s3  }
0xc: {  	[smem:$0x3FB3] =	sst s4  }
0xd: {  	[smem:$0x3FB4] =	sst s5  }
0xe: {  	[smem:$0x3FB5] =	sst s6  }
0xf: {  	[smem:$0x3FB6] =	sst s7  }
0x10: {  	[smem:$0x3FB7] =	sst s8  }
0x11: {  	[smem:$0x3FB8] =	sst s9;
	s0 =	simm.s32 @!p0 $0x0  }
0x12: {  	s1 =	sld [smem:$0x3F9E];
	s0 =	simm.s32 @p0 $0x1  }
0x13: {  	[smem:$0x3FB9] =	sst s0;
	s0 =	simm.s32 @!p1 $0x0  }
0x14: {  	s2 =	sld [smem:$0x3F9D];
	s0 =	simm.s32 @p1 $0x1  }
0x15: {  	[smem:$0x3FBA] =	sst s0;
	s0 =	simm.s32 @!p2 $0x0  }
0x16: {  	s3 =	sld [smem:$0x3FDB];
	s0 =	simm.s32 @p2 $0x1  }
0x17: {  	s4 =	simm.s32 $0x1BF5;
	[smem:$0x3FBC] =	sst s0  }
0x18: {  	s0 =	sld [smem:$0x3F9F];
	_ =	swait.ge [sflag:s4], $0x0  }
0x19: {  	s7 =	sld [smem:$0x3FA0]  }
0x1a: {  	s8 =	sadd.s32 $0xFFFFE003, lr  }
0x1b: {  	s9 =	sadd.s32 $0xFFFFFEF7, lr;
	s5 =	simm.s32 $0xFFFFFFFF;
	p2 =	slt.u32 s8, $0xFFFFF086  }
0x1c: {  	p1 =	slt.u32 s9, $0xF7A;
	s5 =	simm.s32 @!p2 $0x0  }
0x1d: {  	s5 =	simm.s32 @p1 $0x1;
	p0 =	seq.s32 s7, s2  }
0x1e: {  	s7 =	smul.u32 @!p0 $0xF7A, s2;
	p2 =	seq.s32 @!p0 s5, $0x0  }
0x1f: {  	s9 =	smul.u32 $0xF7A, s1;
	s8 =	simm.s32 @!p0 $0x1BF5;
	p2 =	por !p2, p0  }
0x20: {  	[sflag:s8] =	ssyncset.s32 @!p0 $0xFFFFF086;
	s6 =	sadd.s32 @!p0 s3, s7;
	s7 =	simm.s32 @!p0 $0x108  }
0x21: {  	s3 =	sadd.s32 s3, s9;
	s6 =	sadd.s32 @!p0 $0x88, s6;
	s7 =	simm.s32 @p2 $0x1082  }
0x22: {  	[simem:s7], [sflag:s8] =	dma.local @!p0 [hbm:s6], $0xF7A  }
0x23: {  	s9 =	sor.u32 $0xD0000000, s2;
	s6 =	simm.s32 $0x108;
	_ =	swait.ge @!p0 [sflag:s8], $0x0  }
0x24: {  	s3 =	sadd.s32 $0x88, s3;
	s6 =	simm.s32 @!p1 $0x1082;
	[sflag:s4] =	ssyncset.s32 $0xFFFFF086  }
0x25: {  	[simem:s6], [sflag:s4] =	dma.local [hbm:s3], $0xF7A  }
0x26: {  	[smem:$0x3FA0] =	sst s1;
	(tag) =	ssettag s2;
	_ =	strace s9  }
0x27: {  	s1 =	sld [smem:$0x3FB0]  }
0x28: {  	s2 =	sld [smem:$0x3FB1]  }
0x29: {  	s4 =	sld [smem:$0x3FB3]  }
0x2a: {  	p0 =	seq.s32 s5, $0x0;
	s5 =	sld [smem:$0x3FB4]  }
0x2b: {  	s6 =	sld [smem:$0x3FB5]  }
0x2c: {  	s7 =	sld [smem:$0x3FB6]  }
0x2d: {  	s3 =	simm.s32 $0x108;
	s8 =	sld [smem:$0x3FB7]  }
0x2e: {  	s3 =	simm.s32 @!p0 $0x1082;
	s9 =	sld [smem:$0x3FB8]  }
0x2f: {  	lr =	sadd.s32 s0, s3;
	s0 =	sld [smem:$0x3FAF]  }
0x30: {  	s3 =	sld [smem:$0x3FB2]  }
0x31: {  	[smem:$0x3FBB] =	sst s10  }
0x32: {  	s10 =	sld [smem:$0x3FB9];
	_ =	sdelay $0x3  }
0x33: {  	p0 =	seq.s32 s10, $0x1;
	s10 =	sld [smem:$0x3FBB];
	_ =	sdelay $0x3  }
0x34: {  	[smem:$0x3FBB] =	sst s10  }
0x35: {  	s10 =	sld [smem:$0x3FBA];
	_ =	sdelay $0x3  }
0x36: {  	p1 =	seq.s32 s10, $0x1;
	s10 =	sld [smem:$0x3FBB];
	_ =	sdelay $0x3  }
0x37: {  	[smem:$0x3FBB] =	sst s10  }
0x38: {  	s10 =	sld [smem:$0x3FBC]  }
0x39: {  	_ = 	snop;
	(pc) =	sbr.ind lr, $3  }
0x3a: {  	_ = 	snop  }
0x3b: {  	_ = 	snop  }
0x3c: {  	p2 =	seq.s32 s10, $0x1;
	s10 =	sld [smem:$0x3FBB]  }
0x3d: {  	_ =	shalt  }
0x3e: {  	_ =	shalt  }
0x3f: {  	_ =	shalt  }
0x40: {  	_ =	shalt  }
0x41: {  	_ =	shalt  }
0x42: {  	_ =	shalt  }
0x43: {  	_ =	shalt  }
0x44: {  	_ =	shalt  }
0x45: {  	_ =	shalt  }
0x46: {  	_ =	shalt  }
0x47: {  	_ =	shalt  }
0x48: {  	_ =	shalt  }
0x49: {  	_ =	shalt  }
0x4a: {  	_ =	shalt  }
0x4b: {  	_ =	shalt  }
0x4c: {  	_ =	shalt  }
0x4d: {  	_ =	shalt  }
0x4e: {  	_ =	shalt  }
0x4f: {  	_ =	shalt  }
0x50: {  	_ =	shalt  }
0x51: {  	_ =	shalt  }
0x52: {  	_ =	shalt  }
0x53: {  	_ =	shalt  }
0x54: {  	_ =	shalt  }
0x55: {  	_ =	shalt  }
0x56: {  	_ =	shalt  }
0x57: {  	_ =	shalt  }
0x58: {  	_ =	shalt  }
0x59: {  	_ =	shalt  }
0x5a: {  	_ =	shalt  }
0x5b: {  	_ =	shalt  }
0x5c: {  	_ =	shalt  }
0x5d: {  	_ =	shalt  }
0x5e: {  	_ =	shalt  }
0x5f: {  	_ =	shalt  }
0x60: {  	_ =	shalt  }
0x61: {  	_ =	shalt  }
0x62: {  	_ =	shalt  }
0x63: {  	_ =	shalt  }
0x64: {  	_ =	shalt  }
0x65: {  	_ =	shalt  }
0x66: {  	_ =	shalt  }
0x67: {  	_ =	shalt  }
0x68: {  	_ =	shalt  }
0x69: {  	_ =	shalt  }
0x6a: {  	_ =	shalt  }
0x6b: {  	_ =	shalt  }
0x6c: {  	_ =	shalt  }
0x6d: {  	_ =	shalt  }
0x6e: {  	_ =	shalt  }
0x6f: {  	_ =	shalt  }
0x70: {  	_ =	shalt  }
0x71: {  	_ =	shalt  }
0x72: {  	_ =	shalt  }
0x73: {  	_ =	shalt  }
0x74: {  	_ =	shalt  }
0x75: {  	_ =	shalt  }
0x76: {  	_ =	shalt  }
0x77: {  	_ =	shalt  }
0x78: {  	_ =	shalt  }
0x79: {  	_ =	shalt  }
0x7a: {  	_ =	shalt  }
0x7b: {  	_ =	shalt  }
0x7c: {  	_ =	shalt  }
0x7d: {  	_ =	shalt  }
0x7e: {  	_ =	shalt  }
0x7f: {  	_ =	shalt  }
0x80: {  	_ =	shalt  }
0x81: {  	_ =	shalt  }
0x82: {  	_ =	shalt  }
0x83: {  	_ =	shalt  }
0x84: {  	_ =	shalt  }
0x85: {  	_ =	shalt  }
0x86: {  	_ =	shalt  }
0x87: {  	_ =	shalt  }
.Lfunc_end0:
.L_simem_size_0:
called_computation_lowered:
.L_overlay_start_0:
0x88: {  	s2 =	sld [smem:$0x3FD9]  }
0x89: {  	s3 =	sld [smem:$0x3FFE];
	_ =	sdelay $0x1  }
0x8a: {  	s1 =	srdreg.scid  }
0x8b: {  	s0 =	sand.u32 $0x1, s1  }
0x8c: {  	s18 =	sshll.u32 s0, $0xA;
	s2 =	sadd.s32 s3, s2  }
0x8d: {  	s2 =	sadd.s32 s2, s18  }
0x8e: {  	[smem:$0x3FC7] =	sst s2  }
0x8f: {  	_ = 	snop  }
0x90: {  	s2 =	sld [smem:$0x3FC9]  }
0x91: {  	s19 =	sld [smem:$0x3FD0];
	(tm) =	ssettm $0x1  }
0x92: {  	s4 =	sld [smem:$0x3FFB];
	_ =	sdelay $0x3  }
0x93: {  	_ =	strace s4  }
0x94: {  	s4 =	sld [smem:$0x3FFC];
	_ =	sdelay $0x3  }
0x95: {  	_ =	strace s4  }
0x96: {  	s4 =	sld [smem:$0x3FFD];
	_ =	sdelay $0x3  }
0x97: {  	_ =	strace s4  }
0x98: {  	_ =	strace $0x8FFFFFFF  }
0x99: {  	s20 =	sld [smem:$0x3FDB];
	_ =	sdelay $0x1  }
0x9a: {  	s5 =	simm.s32 $_scs_section_size  }
0x9b: {  	s6 =	simm.s32 $_size__tile_overlayer_lowered;
	s7 =	simm.s32 $_tile_overlayer_lowered  }
0x9c: {  	s23 =	simm.s32 $0x1BFF;
	s22 =	sshll.u32 s7, $0x1;
	s4 =	sadd.s32 s5, s20  }
0x9d: {  	s8 =	simm.s32 $0x0;
	s21 =	sshll.u32 s6, $0x1;
	s6 =	sadd.s32 s22, s4  }
0x9e: {  	[timem:s8], [sflag:s23] =	dma.local [hbm:s6], s21  }
0x9f: {  	_ =	swait.ge [sflag:s23], s21  }
0xa0: {  	s5 =	ssub.s32 $0x0, s21;
	[sflag:s23] =	ssyncset.done $0x0  }
0xa1: {  	[sflag:s23] =	ssyncadd.s32 s5;
	_ =	sdelay $0x1  }
0xa2: {  	s24 =	simm.s32 $0x1B8B  }
0xa3: {  	_ =	swait.ge [sflag:s24], $0x1  }
0xa4: {  	[sflag:s24] =	ssyncset.done $0x0  }
0xa5: {  	s25 =	simm.s32 $0x1B8E;
	[sflag:s24] =	ssyncadd.s32 $0xFFFFFFFF  }
0xa6: {  	s26 =	simm.s32 $execute0_lowered;
	[smem:$0x3FD2] =	sst s25  }
0xa7: {  	s5 =	sshll.u32 s26, $0x1;
	_ =	strace $0x80000046;
	[dreg:$0x1] =	wrdreg $0xFFFFFFFF  }
0xa8: {  	s28 =	simm.s32 $_size_execute0_lowered;
	s4 =	sadd.s32 s4, s5;
	[dreg:$0x0] =	wrdreg $0x0  }
0xa9: {  	s5 =	sshll.u32 s28, $0x1;
	[dreg:$0x2] =	wrdreg s4  }
0xaa: {  	[dreg:$0x3] =	wrdreg s5  }
0xab: {  	[dreg:$0x4] =	wrdreg $0xC0  }
0xac: {  	_ =	task [dreg:s8], $0x5FFFF  }
0xad: {  	[dreg:$0x1] =	wrdreg $0xFFFFFFFF  }
0xae: {  	[dreg:$0x0] =	wrdreg $0x60  }
0xaf: {  	[dreg:$0x2] =	wrdreg s2  }
0xb0: {  	[dreg:$0x3] =	wrdreg s19  }
0xb1: {  	[dreg:$0x4] =	wrdreg $0x9  }
0xb2: {  	_ =	task.clear_ibuf [dreg:s8], $0x5FFFF;
	_ =	strace $0x90000046  }
0xb3: {  	s29 =	simm.s32 $0x9;
	_ =	strace $0x80000048  }
0xb4: {  	_ =	swait.ge [sflag:s29], $0x1  }
0xb5: {  	[sflag:s29] =	ssyncadd.s32 $0xFFFFFFFF  }
0xb6: {  	_ =	strace $0x90000048  }
0xb7: {  	_ =	sfence  }
0xb8: {  	s30 =	sld [smem:$0x0];
	_ =	sdelay $0x2  }
0xb9: {  	s31 =	sshll.u32 s1, $0xD;
	s1 =	sshrl.u32 s1, $0x2  }
0xba: {  	s3 =	sand.u32 $0x4000, s31;
	s1 =	sadd.s32 s1, s30  }
0xbb: {  	s0 =	sor.u32 s3, s0;
	s1 =	sshll.u32 s1, $0x11  }
0xbc: {  	s0 =	sor.u32 s1, s0  }
0xbd: {  	s0 =	sadd.s32 $0x8F2B, s0  }
0xbe: {  	[sflag:s0] =	ssyncadd.remote.s32 $0x1  }
0xbf: {  	_ =	sfence.sel $0xFFFF  }
0xc0: {  	[dreg:$0x0] =	wrdreg $0xFFFFFFFF;
	(pc) =	sbr.abs _section_cstart, $3  }
0xc1: {  	[dreg:$0x1] =	wrdreg $0xFFFFFFFF  }
0xc2: {  	_ =	task.clear_ibuf [dreg:s8], $0x2FFFF;
	_ =	strace $0x9FFFFFFF  }
0xc3: {  	(tm) =	ssettm $0x7FFFFFFF  }
tec
execute0_lowered:
.L_overlay_start_1:
0x0: {  	(tag) =	ssettag $0x1  }
0x1: {  	s1 =	rddreg [dreg:$0x0];
	s0 =	srdreg.scid  }
0x2: {  	s2 =	rddreg [dreg:$0x1];
	s3 =	simm.s32 $0x0;
	s15 =	stileid.u32  }
0x3: {  	s17 =	simm.s32 $0x400;
	s18 =	simm.s32 $0xC400;
	s20 =	simm.s32 $0x10400  }
0x4: {  	s19 =	simm.s32 $0x1;
	s21 =	simm.s32 $0x2;
	s22 =	simm.s32 $0x7  }
0x5: {  	s23 =	simm.s32 $0x8;
	s29 =	simm.s32 $0x3;
	s30 =	simm.s32 $0x4  }
0x6: {  	s31 =	simm.s32 $0x5;
	s0 =	sand.u32 $0x1, s0;
	[smem:$0x7FF] =	sst s3  }
0x7: {  	s24 =	sshll.u32 s15, $0xC;
	s12 =	sshll.u32 s15, $0xB;
	s6 =	sadd.s32 $0x300, s1  }
0x8: {  	s7 =	sadd.s32 $0x400, s1;
	s8 =	sadd.s32 $0x500, s1;
	s9 =	sadd.s32 $0x600, s1  }
0x9: {  	s10 =	sadd.s32 $0x700, s1;
	s28 =	sshll.u32 s15, $0x13;
	s4 =	ssub.s32 $0x2, s0  }
0xa: {  	_ =	strace $0x80000047;
	s13 =	sshll.u32 s0, $0xA;
	s14 =	sand.u32 $0xC000, s24  }
0xb: {  	s0 =	sshll.u32 s0, $0x12;
	s24 =	simm.s32 $0xC400;
	s5 =	sshrl.u32 s4, $0x1  }
0xc: {  	s14 =	ssub.s32 s14, s13;
	s13 =	sor.u32 s13, s12;
	s11 =	ssub.s32 s4, s5  }
0xd: {  	s4 =	sadd.s32 $0x100, s1;
	s5 =	sadd.s32 $0x200, s1;
	s25 =	ssub.s32 s14, s12  }
.Ltmp0:
0xe: {  	s26 =	sshll.u32 s13, $0x8;
	s12 =	simm.s32 $0x0;
	(pc) =	sbr.rel .LBB2_1-.Ltmp0, $4  }
0xf: {  	s11 =	smax.u32 s11, $0x1;
	s13 =	sadd.s32 s26, s2;
	s2 =	sadd.s32 s28, s2  }
0x10: {  	v1 =	vlaneseq.u32;
	s26 =	simm.s32 $0xB;
	[dreg:$0x3] =	wrdreg s11;
	s11 =	sadd.s32 $0x1FFF, s25  }
0x11: {  	vm0 =	vmmov $0xffff;
	v2 =	vshrl.u32 v1, $0x3;
	s14 =	sadd.s32 $0x1000, s13;
	s15 =	sadd.s32 s0, s2;
	s16 =	sadd.s32 $0x2000, s13  }
0x12: {  	v0 =	vmul.u32 $0xFFFFFFFF, v1;
	v1 =	vand.u32 $0x7, v1;
	v2 =	vmul.u32 $0x8, v2;
	s25 =	simm.s32 $0x4400;
	s0 =	simm.s32 $0x6;
	[dreg:$0x4] =	wrdreg s11  }
.LBB2_13:
0x13: {  	_ =	swait.ge [sflag:s22], $0x4000  }
0x14: {  	[sflag:s22] =	ssyncset.done $0x0  }
0x15: {  	[sflag:s22] =	ssyncadd.s32 $0xFFFFC000  }
0x16: {  	_ =	swait.ge [sflag:s23], $0x4000  }
0x17: {  	[sflag:s23] =	ssyncset.done $0x0  }
0x18: {  	s2 =	simm.s32 $0x9;
	[sflag:s23] =	ssyncadd.s32 $0xFFFFC000  }
0x19: {  	_ =	swait.ge [sflag:s2], $0x4000  }
0x1a: {  	[sflag:s2] =	ssyncset.done $0x0  }
0x1b: {  	s20 =	simm.s32 $0xA;
	[sflag:s2] =	ssyncadd.s32 $0xFFFFC000  }
0x1c: {  	_ =	swait.ge [sflag:s20], $0x4000  }
0x1d: {  	[sflag:s20] =	ssyncset.done $0x0  }
0x1e: {  	[sflag:s20] =	ssyncadd.s32 $0xFFFFC000  }
0x1f: {  	_ =	swait.ge [sflag:s26], $0x4000  }
0x20: {  	[sflag:s26] =	ssyncset.done $0x0  }
0x21: {  	s11 =	simm.s32 $0xC;
	[sflag:s26] =	ssyncadd.s32 $0xFFFFC000  }
0x22: {  	_ =	swait.ge [sflag:s11], $0x4000  }
0x23: {  	s12 =	rddreg [dreg:$0x5]  }
0x24: {  	s28 =	rddreg [dreg:$0x3];
	s12 =	sadd.s32 $0x1, s12  }
0x25: {  	p0 =	sne.s32 s12, s28  }
.Ltmp1:
0x26: {  	_ = 	snop;
	(pc) =	sbr.rel @!p0 .LBB2_14-.Ltmp1, $3  }
0x27: {  	_ =	sdelay $0x1  }
0x28: {  	[sflag:s11] =	ssyncset.done $0x0  }
0x29: {  	s18 =	simm.s32 $0xC400;
	s20 =	simm.s32 $0x10400;
	[sflag:s11] =	ssyncadd.s32 $0xFFFFC000  }
.LBB2_1:
0x2a: {  	s11 =	rddreg [dreg:$0x4]  }
0x2b: {  	[dreg:$0x5] =	wrdreg s12;
	s2 =	simm.s32 $0x40;
	s12 =	simm.s32 $0x0;
	v3 =	vadd.s32 s11, v0  }
.LBB2_2:
0x2c: {  	p0 =	sne.s32 s2, $0xFC0  }
0x2d: {  	[tilespmem:s12+$0x0] =	vst v3;
	s11 =	sadd.s32 $0xFFFFFFF0, s11;
	s12 =	smov.u32 s2;
	s2 =	sadd.s32 $0x40, s2  }
.Ltmp2:
0x2e: {  	(pc) =	sbr.rel @p0 .LBB2_2-.Ltmp2, $2  }
0x2f: {  	_ =	sdelay $0x2  }
0x30: {  	v3 =	vadd.s32 s11, v0;
	s12 =	sshra.s32 s12, $0x2  }
0x31: {  	[tilespmem:s12+$0x0] =	vst v3  }
0x32: {  	v3 =	vld.msk [tilespmem:$0x0], $0xff;
	_ =	sdelay $0x4  }
0x33: {  	v4 =	vshll.u32 v3, $0x4  }
0x34: {  	v3 =	vand.u32 $0x7, v3;
	v4 =	vand.u32 $0xFFFFFF80, v4  }
0x35: {  	v3 =	vor.u32 v3, v4  }
0x36: {  	v3 =	vperm.xlane v3, v1;
	_ =	sdelay $0x1  }
0x37: {  	v3 =	vadd.s32 v2, v3;
	_ =	sdelay $0x3  }
0x38: {  	s2 =	simm.s32 $0x0  }
0x39: {  	[tilespmem:s17], [sflag:$0x1] =	stream.indirect_vreg.gather [hbm4b:s1+s2], $0x80, v3, vm0, $0xb8;
	[tilespmem:$0x18400] =	vst v63  }
0x3a: {  	s11 =	simm.s32 $0xC00  }
0x3b: {  	[tilespmem:s11], [sflag:$0x1] =	stream.indirect_vreg.gather [hbm4b:s4+s2], $0x80, v3, vm0, $0xb8;
	[tilespmem:$0x18400] =	vst v63  }
0x3c: {  	s12 =	simm.s32 $0x1400  }
0x3d: {  	[tilespmem:s12], [sflag:$0x1] =	stream.indirect_vreg.gather [hbm4b:s5+s2], $0x80, v3, vm0, $0xb8;
	[tilespmem:$0x18400] =	vst v63  }
0x3e: {  	s12 =	simm.s32 $0x1C00  }
0x3f: {  	[tilespmem:s12], [sflag:$0x1] =	stream.indirect_vreg.gather [hbm4b:s6+s2], $0x80, v3, vm0, $0xb8;
	[tilespmem:$0x18400] =	vst v63  }
0x40: {  	s12 =	simm.s32 $0x2400  }
0x41: {  	[tilespmem:s12], [sflag:$0x1] =	stream.indirect_vreg.gather [hbm4b:s7+s2], $0x80, v3, vm0, $0xb8;
	[tilespmem:$0x18400] =	vst v63  }
0x42: {  	s12 =	simm.s32 $0x2C00  }
0x43: {  	[tilespmem:s12], [sflag:$0x1] =	stream.indirect_vreg.gather [hbm4b:s8+s2], $0x80, v3, vm0, $0xb8;
	[tilespmem:$0x18400] =	vst v63  }
0x44: {  	s12 =	simm.s32 $0x3400  }
0x45: {  	[tilespmem:s12], [sflag:$0x1] =	stream.indirect_vreg.gather [hbm4b:s9+s2], $0x80, v3, vm0, $0xb8;
	[tilespmem:$0x18400] =	vst v63  }
0x46: {  	s12 =	simm.s32 $0x3C00  }
0x47: {  	[tilespmem:s12], [sflag:$0x1] =	stream.indirect_vreg.gather [hbm4b:s10+s2], $0x80, v3, vm0, $0xb8;
	[tilespmem:$0x18400] =	vst v63  }
0x48: {  	v3 =	vld.msk [tilespmem:$0x8], $0xff;
	_ =	sdelay $0x4  }
0x49: {  	v60 =	vshll.u32 v3, $0x4  }
0x4a: {  	v3 =	vand.u32 $0x7, v3;
	v4 =	vand.u32 $0xFFFFFF80, v60  }
0x4b: {  	v3 =	vor.u32 v3, v4  }
0x4c: {  	v3 =	vperm.xlane v3, v1;
	_ =	sdelay $0x1  }
0x4d: {  	v3 =	vadd.s32 v2, v3;
	_ =	sdelay $0x4  }
0x4e: {  	[tilespmem:s25], [sflag:$0x2] =	stream.indirect_vreg.gather [hbm4b:s1+s2], $0x80, v3, vm0, $0xb8;
	[tilespmem:$0x18400] =	vst v63  }
0x4f: {  	s12 =	simm.s32 $0x4C00  }
0x50: {  	[tilespmem:s12], [sflag:$0x2] =	stream.indirect_vreg.gather [hbm4b:s4+s2], $0x80, v3, vm0, $0xb8;
	[tilespmem:$0x18400] =	vst v63  }
0x51: {  	s12 =	simm.s32 $0x5400  }
0x52: {  	[tilespmem:s12], [sflag:$0x2] =	stream.indirect_vreg.gather [hbm4b:s5+s2], $0x80, v3, vm0, $0xb8;
	[tilespmem:$0x18400] =	vst v63  }
0x53: {  	s12 =	simm.s32 $0x5C00  }
0x54: {  	[tilespmem:s12], [sflag:$0x2] =	stream.indirect_vreg.gather [hbm4b:s6+s2], $0x80, v3, vm0, $0xb8;
	[tilespmem:$0x18400] =	vst v63  }
0x55: {  	s12 =	simm.s32 $0x6400  }
0x56: {  	[tilespmem:s12], [sflag:$0x2] =	stream.indirect_vreg.gather [hbm4b:s7+s2], $0x80, v3, vm0, $0xb8;
	[tilespmem:$0x18400] =	vst v63  }
0x57: {  	s12 =	simm.s32 $0x6C00  }
0x58: {  	[tilespmem:s12], [sflag:$0x2] =	stream.indirect_vreg.gather [hbm4b:s8+s2], $0x80, v3, vm0, $0xb8;
	[tilespmem:$0x18400] =	vst v63  }
0x59: {  	s12 =	simm.s32 $0x7400  }
0x5a: {  	[tilespmem:s12], [sflag:$0x2] =	stream.indirect_vreg.gather [hbm4b:s9+s2], $0x80, v3, vm0, $0xb8;
	[tilespmem:$0x18400] =	vst v63  }
0x5b: {  	s12 =	simm.s32 $0x7C00  }
0x5c: {  	[tilespmem:s12], [sflag:$0x2] =	stream.indirect_vreg.gather [hbm4b:s10+s2], $0x80, v3, vm0, $0xb8;
	[tilespmem:$0x18400] =	vst v63  }
0x5d: {  	v3 =	vld.msk [tilespmem:$0x10], $0xff;
	_ =	sdelay $0x4  }
0x5e: {  	v61 =	vshll.u32 v3, $0x4  }
0x5f: {  	v3 =	vand.u32 $0x7, v3;
	v4 =	vand.u32 $0xFFFFFF80, v61  }
0x60: {  	v3 =	vor.u32 v3, v4  }
0x61: {  	v3 =	vperm.xlane v3, v1;
	_ =	sdelay $0x1  }
0x62: {  	v3 =	vadd.s32 v2, v3;
	_ =	sdelay $0x3  }
0x63: {  	s12 =	simm.s32 $0x8400  }
0x64: {  	[tilespmem:s12], [sflag:$0x3] =	stream.indirect_vreg.gather [hbm4b:s1+s2], $0x80, v3, vm0, $0xb8;
	[tilespmem:$0x18400] =	vst v63  }
0x65: {  	s12 =	simm.s32 $0x8C00  }
0x66: {  	[tilespmem:s12], [sflag:$0x3] =	stream.indirect_vreg.gather [hbm4b:s4+s2], $0x80, v3, vm0, $0xb8;
	[tilespmem:$0x18400] =	vst v63  }
0x67: {  	s12 =	simm.s32 $0x9400  }
0x68: {  	[tilespmem:s12], [sflag:$0x3] =	stream.indirect_vreg.gather [hbm4b:s5+s2], $0x80, v3, vm0, $0xb8;
	[tilespmem:$0x18400] =	vst v63  }
0x69: {  	s12 =	simm.s32 $0x9C00  }
0x6a: {  	[tilespmem:s12], [sflag:$0x3] =	stream.indirect_vreg.gather [hbm4b:s6+s2], $0x80, v3, vm0, $0xb8;
	[tilespmem:$0x18400] =	vst v63  }
0x6b: {  	s12 =	simm.s32 $0xA400  }
0x6c: {  	[tilespmem:s12], [sflag:$0x3] =	stream.indirect_vreg.gather [hbm4b:s7+s2], $0x80, v3, vm0, $0xb8;
	[tilespmem:$0x18400] =	vst v63  }
0x6d: {  	s12 =	simm.s32 $0xAC00  }
0x6e: {  	[tilespmem:s12], [sflag:$0x3] =	stream.indirect_vreg.gather [hbm4b:s8+s2], $0x80, v3, vm0, $0xb8;
	[tilespmem:$0x18400] =	vst v63  }
0x6f: {  	s12 =	simm.s32 $0xB400  }
0x70: {  	[tilespmem:s12], [sflag:$0x3] =	stream.indirect_vreg.gather [hbm4b:s9+s2], $0x80, v3, vm0, $0xb8;
	[tilespmem:$0x18400] =	vst v63  }
0x71: {  	s12 =	simm.s32 $0xBC00  }
0x72: {  	[tilespmem:s12], [sflag:$0x3] =	stream.indirect_vreg.gather [hbm4b:s10+s2], $0x80, v3, vm0, $0xb8;
	[tilespmem:$0x18400] =	vst v63  }
0x73: {  	v3 =	vld.msk [tilespmem:$0x18], $0xff;
	_ =	sdelay $0x4  }
0x74: {  	v62 =	vshll.u32 v3, $0x4  }
0x75: {  	v3 =	vand.u32 $0x7, v3;
	v4 =	vand.u32 $0xFFFFFF80, v62  }
0x76: {  	v3 =	vor.u32 v3, v4  }
0x77: {  	v3 =	vperm.xlane v3, v1;
	_ =	sdelay $0x1  }
0x78: {  	v3 =	vadd.s32 v2, v3;
	_ =	sdelay $0x4  }
0x79: {  	[tilespmem:s18], [sflag:$0x4] =	stream.indirect_vreg.gather [hbm4b:s1+s2], $0x80, v3, vm0, $0xb8;
	[tilespmem:$0x18400] =	vst v63  }
0x7a: {  	s18 =	simm.s32 $0xCC00  }
0x7b: {  	[tilespmem:s18], [sflag:$0x4] =	stream.indirect_vreg.gather [hbm4b:s4+s2], $0x80, v3, vm0, $0xb8;
	[tilespmem:$0x18400] =	vst v63  }
0x7c: {  	s12 =	simm.s32 $0xD400  }
0x7d: {  	[tilespmem:s12], [sflag:$0x4] =	stream.indirect_vreg.gather [hbm4b:s5+s2], $0x80, v3, vm0, $0xb8;
	[tilespmem:$0x18400] =	vst v63  }
0x7e: {  	s18 =	simm.s32 $0xDC00  }
0x7f: {  	[tilespmem:s18], [sflag:$0x4] =	stream.indirect_vreg.gather [hbm4b:s6+s2], $0x80, v3, vm0, $0xb8;
	[tilespmem:$0x18400] =	vst v63  }
0x80: {  	s12 =	simm.s32 $0xE400  }
0x81: {  	[tilespmem:s12], [sflag:$0x4] =	stream.indirect_vreg.gather [hbm4b:s7+s2], $0x80, v3, vm0, $0xb8;
	[tilespmem:$0x18400] =	vst v63  }
0x82: {  	s18 =	simm.s32 $0xEC00  }
0x83: {  	[tilespmem:s18], [sflag:$0x4] =	stream.indirect_vreg.gather [hbm4b:s8+s2], $0x80, v3, vm0, $0xb8;
	[tilespmem:$0x18400] =	vst v63  }
0x84: {  	s12 =	simm.s32 $0xF400  }
0x85: {  	[tilespmem:s12], [sflag:$0x4] =	stream.indirect_vreg.gather [hbm4b:s9+s2], $0x80, v3, vm0, $0xb8;
	[tilespmem:$0x18400] =	vst v63  }
0x86: {  	s18 =	simm.s32 $0xFC00  }
0x87: {  	[tilespmem:s18], [sflag:$0x4] =	stream.indirect_vreg.gather [hbm4b:s10+s2], $0x80, v3, vm0, $0xb8;
	[tilespmem:$0x18400] =	vst v63  }
0x88: {  	v3 =	vld.msk [tilespmem:$0x20], $0xff;
	_ =	sdelay $0x4  }
0x89: {  	v63 =	vshll.u32 v3, $0x4  }
0x8a: {  	v3 =	vand.u32 $0x7, v3;
	v4 =	vand.u32 $0xFFFFFF80, v63  }
0x8b: {  	v3 =	vor.u32 v3, v4  }
0x8c: {  	v3 =	vperm.xlane v3, v1;
	_ =	sdelay $0x1  }
0x8d: {  	v3 =	vadd.s32 v2, v3;
	_ =	sdelay $0x4  }
0x8e: {  	[tilespmem:s20], [sflag:$0x5] =	stream.indirect_vreg.gather [hbm4b:s1+s2], $0x80, v3, vm0, $0xb8;
	[tilespmem:$0x18400] =	vst v63  }
0x8f: {  	s20 =	simm.s32 $0x10C00  }
0x90: {  	[tilespmem:s20], [sflag:$0x5] =	stream.indirect_vreg.gather [hbm4b:s4+s2], $0x80, v3, vm0, $0xb8;
	[tilespmem:$0x18400] =	vst v63  }
0x91: {  	s12 =	simm.s32 $0x11400  }
0x92: {  	[tilespmem:s12], [sflag:$0x5] =	stream.indirect_vreg.gather [hbm4b:s5+s2], $0x80, v3, vm0, $0xb8;
	[tilespmem:$0x18400] =	vst v63  }
0x93: {  	s18 =	simm.s32 $0x11C00  }
0x94: {  	[tilespmem:s18], [sflag:$0x5] =	stream.indirect_vreg.gather [hbm4b:s6+s2], $0x80, v3, vm0, $0xb8;
	[tilespmem:$0x18400] =	vst v63  }
0x95: {  	s20 =	simm.s32 $0x12400  }
0x96: {  	[tilespmem:s20], [sflag:$0x5] =	stream.indirect_vreg.gather [hbm4b:s7+s2], $0x80, v3, vm0, $0xb8;
	[tilespmem:$0x18400] =	vst v63  }
0x97: {  	s12 =	simm.s32 $0x12C00  }
0x98: {  	[tilespmem:s12], [sflag:$0x5] =	stream.indirect_vreg.gather [hbm4b:s8+s2], $0x80, v3, vm0, $0xb8;
	[tilespmem:$0x18400] =	vst v63  }
.Ltmp3:
0x99: {  	_ = 	snop;
	(pc) =	sbr.rel .LBB2_4-.Ltmp3, $4  }
0x9a: {  	s18 =	simm.s32 $0x13400  }
0x9b: {  	[tilespmem:s18], [sflag:$0x5] =	stream.indirect_vreg.gather [hbm4b:s9+s2], $0x80, v3, vm0, $0xb8;
	[tilespmem:$0x18400] =	vst v63  }
0x9c: {  	s28 =	simm.s32 $0x0;
	s11 =	simm.s32 $0x50;
	s20 =	simm.s32 $0x13C00  }
0x9d: {  	[tilespmem:s20], [sflag:$0x5] =	stream.indirect_vreg.gather [hbm4b:s10+s2], $0x80, v3, vm0, $0xb8;
	[tilespmem:$0x18400] =	vst v63  }
.LBB2_11:
0x9e: {  	_ =	swait.ge [sflag:s0], $0x4000  }
0x9f: {  	[sflag:s0] =	ssyncset.done $0x0  }
0xa0: {  	s12 =	sadd.s32 $0x2800, s12;
	s18 =	simm.s32 $0x14400;
	[sflag:s0] =	ssyncadd.s32 $0xFFFFC000  }
0xa1: {  	[hbm4b:s12+s3] =	stream.linear.scatter [tilespmem:s18], [sflag:$0xC], $0x4000, $0x38;
	[tilespmem:$0x18400] =	vst v63  }
.LBB2_12:
0xa2: {  	s2 =	sadd.s32 $0x3000, s2  }
0xa3: {  	p0 =	sne.s32 s2, $0x42000  }
.Ltmp4:
0xa4: {  	_ = 	snop;
	(pc) =	sbr.rel @!p0 .LBB2_13-.Ltmp4, $2  }
0xa5: {  	_ =	sdelay $0x2  }
0xa6: {  	s28 =	sadd.s32 $0x1, s28;
	s11 =	sadd.s32 $0x30, s11  }
.LBB2_4:
0xa7: {  	p0 =	seq.s32 s28, $0x0  }
.Ltmp5:
0xa8: {  	_ = 	snop;
	(pc) =	sbr.rel @p0 .LBB2_7-.Ltmp5, $4  }
0xa9: {  	_ =	swait.ge [sflag:s19], $0x4000  }
0xaa: {  	[sflag:s19] =	ssyncset.done $0x0  }
0xab: {  	s12 =	sadd.s32 s2, s15;
	[sflag:s19] =	ssyncadd.s32 $0xFFFFC000  }
0xac: {  	[hbm4b:s12+s3] =	stream.linear.scatter [tilespmem:s17], [sflag:$0x7], $0x4000, $0x38;
	[tilespmem:$0x18400] =	vst v63  }
0xad: {  	p0 =	seq.s32 s28, $0x15  }
.Ltmp6:
0xae: {  	_ = 	snop;
	(pc) =	sbr.rel @p0 .LBB2_8-.Ltmp6, $1  }
0xaf: {  	_ =	sdelay $0x3  }
0xb0: {  	s12 =	simm.s32 $0xC  }
0xb1: {  	_ =	swait.ge [sflag:s12], $0x4000  }
0xb2: {  	[sflag:s12] =	ssyncset.done $0x0  }
0xb3: {  	[sflag:s12] =	ssyncadd.s32 $0xFFFFC000  }
.LBB2_7:
0xb4: {  	v3 =	vld.msk [tilespmem:s11+$0xFFFFFFD8], $0xff;
	_ =	sdelay $0x4  }
0xb5: {  	v4 =	vshll.u32 v3, $0x4  }
0xb6: {  	v3 =	vand.u32 $0x7, v3;
	v4 =	vand.u32 $0xFFFFFF80, v4  }
0xb7: {  	v3 =	vor.u32 v3, v4  }
0xb8: {  	v3 =	vperm.xlane v3, v1;
	_ =	sdelay $0x1  }
0xb9: {  	v3 =	vadd.s32 v2, v3;
	_ =	sdelay $0x3  }
0xba: {  	s12 =	simm.s32 $0x14400  }
0xbb: {  	[tilespmem:s12], [sflag:$0x6] =	stream.indirect_vreg.gather [hbm4b:s1+s3], $0x80, v3, vm0, $0xb8;
	[tilespmem:$0x18400] =	vst v63  }
0xbc: {  	s20 =	simm.s32 $0x14C00  }
0xbd: {  	[tilespmem:s20], [sflag:$0x6] =	stream.indirect_vreg.gather [hbm4b:s4+s3], $0x80, v3, vm0, $0xb8;
	[tilespmem:$0x18400] =	vst v63  }
0xbe: {  	s18 =	simm.s32 $0x15400  }
0xbf: {  	[tilespmem:s18], [sflag:$0x6] =	stream.indirect_vreg.gather [hbm4b:s5+s3], $0x80, v3, vm0, $0xb8;
	[tilespmem:$0x18400] =	vst v63  }
0xc0: {  	s20 =	simm.s32 $0x15C00  }
0xc1: {  	[tilespmem:s20], [sflag:$0x6] =	stream.indirect_vreg.gather [hbm4b:s6+s3], $0x80, v3, vm0, $0xb8;
	[tilespmem:$0x18400] =	vst v63  }
0xc2: {  	s18 =	simm.s32 $0x16400  }
0xc3: {  	[tilespmem:s18], [sflag:$0x6] =	stream.indirect_vreg.gather [hbm4b:s7+s3], $0x80, v3, vm0, $0xb8;
	[tilespmem:$0x18400] =	vst v63  }
0xc4: {  	s20 =	simm.s32 $0x16C00  }
0xc5: {  	[tilespmem:s20], [sflag:$0x6] =	stream.indirect_vreg.gather [hbm4b:s8+s3], $0x80, v3, vm0, $0xb8;
	[tilespmem:$0x18400] =	vst v63  }
0xc6: {  	s18 =	simm.s32 $0x17400  }
0xc7: {  	[tilespmem:s18], [sflag:$0x6] =	stream.indirect_vreg.gather [hbm4b:s9+s3], $0x80, v3, vm0, $0xb8;
	[tilespmem:$0x18400] =	vst v63  }
0xc8: {  	s20 =	simm.s32 $0x17C00  }
0xc9: {  	[tilespmem:s20], [sflag:$0x6] =	stream.indirect_vreg.gather [hbm4b:s10+s3], $0x80, v3, vm0, $0xb8;
	[tilespmem:$0x18400] =	vst v63  }
.LBB2_8:
0xca: {  	p0 =	seq.s32 s2, $0x3F000  }
.Ltmp7:
0xcb: {  	_ = 	snop;
	(pc) =	sbr.rel @p0 .LBB2_13-.Ltmp7, $4  }
0xcc: {  	_ =	swait.ge [sflag:s21], $0x4000  }
0xcd: {  	s12 =	sadd.s32 s2, s13;
	[sflag:s21] =	ssyncset.done $0x0  }
0xce: {  	s18 =	sadd.s32 $0x800, s12;
	[sflag:s21] =	ssyncadd.s32 $0xFFFFC000  }
0xcf: {  	[hbm4b:s18+s3] =	stream.linear.scatter [tilespmem:s25], [sflag:$0x8], $0x4000, $0x38;
	[tilespmem:$0x18400] =	vst v63  }
0xd0: {  	_ =	swait.ge [sflag:s22], $0x4000  }
0xd1: {  	[sflag:s22] =	ssyncset.done $0x0  }
0xd2: {  	[sflag:s22] =	ssyncadd.s32 $0xFFFFC000  }
0xd3: {  	v3 =	vld.msk [tilespmem:s11+$0xFFFFFFE0], $0xff;
	_ =	sdelay $0x4  }
0xd4: {  	v4 =	vshll.u32 v3, $0x4  }
0xd5: {  	v3 =	vand.u32 $0x7, v3;
	v4 =	vand.u32 $0xFFFFFF80, v4  }
0xd6: {  	v3 =	vor.u32 v3, v4  }
0xd7: {  	v3 =	vperm.xlane v3, v1;
	_ =	sdelay $0x1  }
0xd8: {  	v3 =	vadd.s32 v2, v3;
	_ =	sdelay $0x4  }
0xd9: {  	[tilespmem:s17], [sflag:$0x1] =	stream.indirect_vreg.gather [hbm4b:s1+s3], $0x80, v3, vm0, $0xb8;
	[tilespmem:$0x18400] =	vst v63  }
0xda: {  	s18 =	simm.s32 $0xC00  }
0xdb: {  	[tilespmem:s18], [sflag:$0x1] =	stream.indirect_vreg.gather [hbm4b:s4+s3], $0x80, v3, vm0, $0xb8;
	[tilespmem:$0x18400] =	vst v63  }
0xdc: {  	s20 =	simm.s32 $0x1400  }
0xdd: {  	[tilespmem:s20], [sflag:$0x1] =	stream.indirect_vreg.gather [hbm4b:s5+s3], $0x80, v3, vm0, $0xb8;
	[tilespmem:$0x18400] =	vst v63  }
0xde: {  	s20 =	simm.s32 $0x1C00  }
0xdf: {  	[tilespmem:s20], [sflag:$0x1] =	stream.indirect_vreg.gather [hbm4b:s6+s3], $0x80, v3, vm0, $0xb8;
	[tilespmem:$0x18400] =	vst v63  }
0xe0: {  	s20 =	simm.s32 $0x2400  }
0xe1: {  	[tilespmem:s20], [sflag:$0x1] =	stream.indirect_vreg.gather [hbm4b:s7+s3], $0x80, v3, vm0, $0xb8;
	[tilespmem:$0x18400] =	vst v63  }
0xe2: {  	s20 =	simm.s32 $0x2C00  }
0xe3: {  	[tilespmem:s20], [sflag:$0x1] =	stream.indirect_vreg.gather [hbm4b:s8+s3], $0x80, v3, vm0, $0xb8;
	[tilespmem:$0x18400] =	vst v63  }
0xe4: {  	s20 =	simm.s32 $0x3400  }
0xe5: {  	[tilespmem:s20], [sflag:$0x1] =	stream.indirect_vreg.gather [hbm4b:s9+s3], $0x80, v3, vm0, $0xb8;
	[tilespmem:$0x18400] =	vst v63  }
0xe6: {  	s20 =	simm.s32 $0x3C00  }
0xe7: {  	[tilespmem:s20], [sflag:$0x1] =	stream.indirect_vreg.gather [hbm4b:s10+s3], $0x80, v3, vm0, $0xb8;
	[tilespmem:$0x18400] =	vst v63  }
0xe8: {  	_ =	swait.ge [sflag:s29], $0x4000  }
0xe9: {  	[sflag:s29] =	ssyncset.done $0x0  }
0xea: {  	s18 =	sadd.s32 s2, s14;
	s20 =	simm.s32 $0x8400;
	[sflag:s29] =	ssyncadd.s32 $0xFFFFC000  }
0xeb: {  	[hbm4b:s18+s3] =	stream.linear.scatter [tilespmem:s20], [sflag:$0x9], $0x4000, $0x38;
	[tilespmem:$0x18400] =	vst v63  }
0xec: {  	_ =	swait.ge [sflag:s23], $0x4000  }
0xed: {  	[sflag:s23] =	ssyncset.done $0x0  }
0xee: {  	[sflag:s23] =	ssyncadd.s32 $0xFFFFC000  }
0xef: {  	v3 =	vld.msk [tilespmem:s11+$0xFFFFFFE8], $0xff;
	_ =	sdelay $0x4  }
0xf0: {  	v63 =	vshll.u32 v3, $0x4  }
0xf1: {  	v3 =	vand.u32 $0x7, v3;
	v4 =	vand.u32 $0xFFFFFF80, v63  }
0xf2: {  	v3 =	vor.u32 v3, v4  }
0xf3: {  	v3 =	vperm.xlane v3, v1;
	_ =	sdelay $0x1  }
0xf4: {  	v3 =	vadd.s32 v2, v3;
	_ =	sdelay $0x4  }
0xf5: {  	[tilespmem:s25], [sflag:$0x2] =	stream.indirect_vreg.gather [hbm4b:s1+s3], $0x80, v3, vm0, $0xb8;
	[tilespmem:$0x18400] =	vst v63  }
0xf6: {  	s20 =	simm.s32 $0x4C00  }
0xf7: {  	[tilespmem:s20], [sflag:$0x2] =	stream.indirect_vreg.gather [hbm4b:s4+s3], $0x80, v3, vm0, $0xb8;
	[tilespmem:$0x18400] =	vst v63  }
0xf8: {  	s20 =	simm.s32 $0x5400  }
0xf9: {  	[tilespmem:s20], [sflag:$0x2] =	stream.indirect_vreg.gather [hbm4b:s5+s3], $0x80, v3, vm0, $0xb8;
	[tilespmem:$0x18400] =	vst v63  }
0xfa: {  	s20 =	simm.s32 $0x5C00  }
0xfb: {  	[tilespmem:s20], [sflag:$0x2] =	stream.indirect_vreg.gather [hbm4b:s6+s3], $0x80, v3, vm0, $0xb8;
	[tilespmem:$0x18400] =	vst v63  }
0xfc: {  	s20 =	simm.s32 $0x6400  }
0xfd: {  	[tilespmem:s20], [sflag:$0x2] =	stream.indirect_vreg.gather [hbm4b:s7+s3], $0x80, v3, vm0, $0xb8;
	[tilespmem:$0x18400] =	vst v63  }
0xfe: {  	s20 =	simm.s32 $0x6C00  }
0xff: {  	[tilespmem:s20], [sflag:$0x2] =	stream.indirect_vreg.gather [hbm4b:s8+s3], $0x80, v3, vm0, $0xb8;
	[tilespmem:$0x18400] =	vst v63  }
0x100: {  	s20 =	simm.s32 $0x7400  }
0x101: {  	[tilespmem:s20], [sflag:$0x2] =	stream.indirect_vreg.gather [hbm4b:s9+s3], $0x80, v3, vm0, $0xb8;
	[tilespmem:$0x18400] =	vst v63  }
0x102: {  	s20 =	simm.s32 $0x7C00  }
0x103: {  	[tilespmem:s20], [sflag:$0x2] =	stream.indirect_vreg.gather [hbm4b:s10+s3], $0x80, v3, vm0, $0xb8;
	[tilespmem:$0x18400] =	vst v63  }
0x104: {  	_ =	swait.ge [sflag:s30], $0x4000  }
0x105: {  	p0 =	sgt.u32 s28, $0x13;
	[sflag:s30] =	ssyncset.done $0x0  }
0x106: {  	s18 =	simm.s32 @!p0 $0x9;
	s20 =	sadd.s32 $0x1800, s12;
	[sflag:s30] =	ssyncadd.s32 $0xFFFFC000  }
0x107: {  	[hbm4b:s20+s3] =	stream.linear.scatter [tilespmem:s24], [sflag:$0xA], $0x4000, $0x38;
	[tilespmem:$0x18400] =	vst v63  }
0x108: {  	_ =	swait.ge @!p0 [sflag:s18], $0x4000  }
0x109: {  	[sflag:s18] =	ssyncset.done @!p0 $0x0  }
0x10a: {  	[sflag:s18] =	ssyncadd.s32 @!p0 $0xFFFFC000  }
0x10b: {  	v3 =	vld.msk @!p0 [tilespmem:s11+$0xFFFFFFF0], $0xff;
	_ =	sdelay $0x4  }
0x10c: {  	v4 =	vshll.u32 @!p0 v3, $0x4  }
0x10d: {  	v5 =	vlaneseq.u32 @!p0;
	v3 =	vand.u32 @!p0 $0x7, v3;
	v4 =	vand.u32 @!p0 $0xFFFFFF80, v4  }
0x10e: {  	v3 =	vor.u32 @!p0 v3, v4;
	v4 =	vand.u32 @!p0 $0x7, v5;
	v5 =	vshrl.u32 @!p0 v5, $0x3  }
0x10f: {  	v3 =	vperm.xlane @!p0 v3, v4;
	v4 =	vmul.u32 @!p0 $0x8, v5;
	_ =	sdelay $0x1  }
0x110: {  	v3 =	vadd.s32 @!p0 v4, v3;
	_ =	sdelay $0x3  }
0x111: {  	vm1 =	vmmov @!p0 $0xffff;
	s20 =	simm.s32 @!p0 $0x8400;
	s18 =	simm.s32 @!p0 $0x0  }
0x112: {  	[tilespmem:s20], [sflag:$0x3] =	stream.indirect_vreg.gather @!p0 [hbm4b:s1+s18], $0x80, v3, vm1, $0xb8;
	[tilespmem:$0x18400] =	vst v63  }
0x113: {  	s20 =	simm.s32 @!p0 $0x8C00  }
0x114: {  	[tilespmem:s20], [sflag:$0x3] =	stream.indirect_vreg.gather @!p0 [hbm4b:s4+s18], $0x80, v3, vm1, $0xb8;
	[tilespmem:$0x18400] =	vst v63  }
0x115: {  	s20 =	simm.s32 @!p0 $0x9400  }
0x116: {  	[tilespmem:s20], [sflag:$0x3] =	stream.indirect_vreg.gather @!p0 [hbm4b:s5+s18], $0x80, v3, vm1, $0xb8;
	[tilespmem:$0x18400] =	vst v63  }
0x117: {  	s20 =	simm.s32 @!p0 $0x9C00  }
0x118: {  	[tilespmem:s20], [sflag:$0x3] =	stream.indirect_vreg.gather @!p0 [hbm4b:s6+s18], $0x80, v3, vm1, $0xb8;
	[tilespmem:$0x18400] =	vst v63  }
0x119: {  	s20 =	simm.s32 @!p0 $0xA400  }
0x11a: {  	[tilespmem:s20], [sflag:$0x3] =	stream.indirect_vreg.gather @!p0 [hbm4b:s7+s18], $0x80, v3, vm1, $0xb8;
	[tilespmem:$0x18400] =	vst v63  }
0x11b: {  	s20 =	simm.s32 @!p0 $0xAC00  }
0x11c: {  	[tilespmem:s20], [sflag:$0x3] =	stream.indirect_vreg.gather @!p0 [hbm4b:s8+s18], $0x80, v3, vm1, $0xb8;
	[tilespmem:$0x18400] =	vst v63  }
0x11d: {  	s20 =	simm.s32 @!p0 $0xB400  }
0x11e: {  	[tilespmem:s20], [sflag:$0x3] =	stream.indirect_vreg.gather @!p0 [hbm4b:s9+s18], $0x80, v3, vm1, $0xb8;
	[tilespmem:$0x18400] =	vst v63  }
0x11f: {  	s20 =	simm.s32 @!p0 $0xBC00  }
0x120: {  	[tilespmem:s20], [sflag:$0x3] =	stream.indirect_vreg.gather @!p0 [hbm4b:s10+s18], $0x80, v3, vm1, $0xb8;
	[tilespmem:$0x18400] =	vst v63  }
.Ltmp8:
0x121: {  	_ = 	snop;
	(pc) =	sbr.rel @p0 .LBB2_11-.Ltmp8, $4  }
0x122: {  	_ =	swait.ge [sflag:s31], $0x4000  }
0x123: {  	[sflag:s31] =	ssyncset.done $0x0  }
0x124: {  	s18 =	sadd.s32 s2, s16;
	s20 =	simm.s32 $0x10400;
	[sflag:s31] =	ssyncadd.s32 $0xFFFFC000  }
0x125: {  	[hbm4b:s18+s3] =	stream.linear.scatter [tilespmem:s20], [sflag:$0xB], $0x4000, $0x38;
	[tilespmem:$0x18400] =	vst v63  }
0x126: {  	s18 =	simm.s32 $0xA  }
0x127: {  	_ =	swait.ge [sflag:s18], $0x4000  }
0x128: {  	[sflag:s18] =	ssyncset.done $0x0  }
0x129: {  	[sflag:s18] =	ssyncadd.s32 $0xFFFFC000  }
0x12a: {  	v3 =	vld.msk [tilespmem:s11+$0xFFFFFFF8], $0xff;
	_ =	sdelay $0x4  }
0x12b: {  	v4 =	vshll.u32 v3, $0x4  }
0x12c: {  	v3 =	vand.u32 $0x7, v3;
	v4 =	vand.u32 $0xFFFFFF80, v4  }
0x12d: {  	v3 =	vor.u32 v3, v4  }
0x12e: {  	v3 =	vperm.xlane v3, v1;
	_ =	sdelay $0x1  }
0x12f: {  	v3 =	vadd.s32 v2, v3;
	_ =	sdelay $0x4  }
0x130: {  	[tilespmem:s24], [sflag:$0x4] =	stream.indirect_vreg.gather [hbm4b:s1+s3], $0x80, v3, vm0, $0xb8;
	[tilespmem:$0x18400] =	vst v63  }
0x131: {  	s18 =	simm.s32 $0xCC00  }
0x132: {  	[tilespmem:s18], [sflag:$0x4] =	stream.indirect_vreg.gather [hbm4b:s4+s3], $0x80, v3, vm0, $0xb8;
	[tilespmem:$0x18400] =	vst v63  }
0x133: {  	s18 =	simm.s32 $0xD400  }
0x134: {  	[tilespmem:s18], [sflag:$0x4] =	stream.indirect_vreg.gather [hbm4b:s5+s3], $0x80, v3, vm0, $0xb8;
	[tilespmem:$0x18400] =	vst v63  }
0x135: {  	s18 =	simm.s32 $0xDC00  }
0x136: {  	[tilespmem:s18], [sflag:$0x4] =	stream.indirect_vreg.gather [hbm4b:s6+s3], $0x80, v3, vm0, $0xb8;
	[tilespmem:$0x18400] =	vst v63  }
0x137: {  	s18 =	simm.s32 $0xE400  }
0x138: {  	[tilespmem:s18], [sflag:$0x4] =	stream.indirect_vreg.gather [hbm4b:s7+s3], $0x80, v3, vm0, $0xb8;
	[tilespmem:$0x18400] =	vst v63  }
0x139: {  	s18 =	simm.s32 $0xEC00  }
0x13a: {  	[tilespmem:s18], [sflag:$0x4] =	stream.indirect_vreg.gather [hbm4b:s8+s3], $0x80, v3, vm0, $0xb8;
	[tilespmem:$0x18400] =	vst v63  }
0x13b: {  	s18 =	simm.s32 $0xF400  }
0x13c: {  	[tilespmem:s18], [sflag:$0x4] =	stream.indirect_vreg.gather [hbm4b:s9+s3], $0x80, v3, vm0, $0xb8;
	[tilespmem:$0x18400] =	vst v63  }
0x13d: {  	s18 =	simm.s32 $0xFC00  }
0x13e: {  	[tilespmem:s18], [sflag:$0x4] =	stream.indirect_vreg.gather [hbm4b:s10+s3], $0x80, v3, vm0, $0xb8;
	[tilespmem:$0x18400] =	vst v63  }
0x13f: {  	_ =	swait.ge [sflag:s0], $0x4000  }
0x140: {  	[sflag:s0] =	ssyncset.done $0x0  }
0x141: {  	s12 =	sadd.s32 $0x2800, s12;
	s18 =	simm.s32 $0x14400;
	[sflag:s0] =	ssyncadd.s32 $0xFFFFC000  }
0x142: {  	[hbm4b:s12+s3] =	stream.linear.scatter [tilespmem:s18], [sflag:$0xC], $0x4000, $0x38;
	[tilespmem:$0x18400] =	vst v63  }
0x143: {  	_ =	swait.ge [sflag:s26], $0x4000  }
0x144: {  	[sflag:s26] =	ssyncset.done $0x0  }
0x145: {  	[sflag:s26] =	ssyncadd.s32 $0xFFFFC000  }
0x146: {  	v3 =	vld.msk [tilespmem:s11+$0x0], $0xff;
	_ =	sdelay $0x4  }
0x147: {  	v63 =	vshll.u32 v3, $0x4  }
0x148: {  	v3 =	vand.u32 $0x7, v3;
	v4 =	vand.u32 $0xFFFFFF80, v63  }
0x149: {  	v3 =	vor.u32 v3, v4  }
0x14a: {  	v3 =	vperm.xlane v3, v1;
	_ =	sdelay $0x1  }
0x14b: {  	v3 =	vadd.s32 v2, v3;
	_ =	sdelay $0x4  }
0x14c: {  	[tilespmem:s20], [sflag:$0x5] =	stream.indirect_vreg.gather [hbm4b:s1+s3], $0x80, v3, vm0, $0xb8;
	[tilespmem:$0x18400] =	vst v63  }
0x14d: {  	s20 =	simm.s32 $0x10C00  }
0x14e: {  	[tilespmem:s20], [sflag:$0x5] =	stream.indirect_vreg.gather [hbm4b:s4+s3], $0x80, v3, vm0, $0xb8;
	[tilespmem:$0x18400] =	vst v63  }
0x14f: {  	s18 =	simm.s32 $0x11400  }
0x150: {  	[tilespmem:s18], [sflag:$0x5] =	stream.indirect_vreg.gather [hbm4b:s5+s3], $0x80, v3, vm0, $0xb8;
	[tilespmem:$0x18400] =	vst v63  }
0x151: {  	s20 =	simm.s32 $0x11C00  }
0x152: {  	[tilespmem:s20], [sflag:$0x5] =	stream.indirect_vreg.gather [hbm4b:s6+s3], $0x80, v3, vm0, $0xb8;
	[tilespmem:$0x18400] =	vst v63  }
0x153: {  	s18 =	simm.s32 $0x12400  }
0x154: {  	[tilespmem:s18], [sflag:$0x5] =	stream.indirect_vreg.gather [hbm4b:s7+s3], $0x80, v3, vm0, $0xb8;
	[tilespmem:$0x18400] =	vst v63  }
0x155: {  	s20 =	simm.s32 $0x12C00  }
0x156: {  	[tilespmem:s20], [sflag:$0x5] =	stream.indirect_vreg.gather [hbm4b:s8+s3], $0x80, v3, vm0, $0xb8;
	[tilespmem:$0x18400] =	vst v63  }
.Ltmp9:
0x157: {  	_ = 	snop;
	(pc) =	sbr.rel .LBB2_12-.Ltmp9, $4  }
0x158: {  	s18 =	simm.s32 $0x13400  }
0x159: {  	[tilespmem:s18], [sflag:$0x5] =	stream.indirect_vreg.gather [hbm4b:s9+s3], $0x80, v3, vm0, $0xb8;
	[tilespmem:$0x18400] =	vst v63  }
0x15a: {  	s20 =	simm.s32 $0x13C00  }
0x15b: {  	[tilespmem:s20], [sflag:$0x5] =	stream.indirect_vreg.gather [hbm4b:s10+s3], $0x80, v3, vm0, $0xb8;
	[tilespmem:$0x18400] =	vst v63  }
.LBB2_14:
0x15c: {  	_ =	sfence.sel $0x180000  }
0x15d: {  	[bflag:$0x0] =	sbarrier.arrive $0xFFFF  }
0x15e: {  	_ =	strace $0x90000047  }
0x15f: {  	s0 =	stileid.u32;
	[bflag:$0x2] =	sbarrier.arrive $0xFFFF  }
0x160: {  	p0 =	sne.s32 s0, $0x0;
	s0 =	rddreg [dreg:$0x2]  }
0x161: {  	s0 =	sadd.s32 @!p0 $0x100000, s0  }
0x162: {  	[sflag:s0] =	ssyncadd.tile.s32 @!p0 $0x1;
	_ =	shalt  }
.Lfunc_end2:
_tile_overlayer_lowered:
.L_overlay_start_2:
0x163: {  	(tag) =	ssettag $0x2  }
0x164: {  	s0 =	rddreg [dreg:$0x0];
	s2 =	stileid.u32  }
0x165: {  	s1 =	rddreg [dreg:$0x1];
	p0 =	sne.s32 s2, $0x0  }
0x166: {  	s3 =	rddreg [dreg:$0x2];
	[bflag:$0x3] =	sbarrier.arrive $0xFFFF;
	s2 =	simm.s32 @!p0 $0x1C0D  }
0x167: {  	[timem:s3], [sflag:s2] =	dma.local @!p0 [hbm:s0], s1  }
0x168: {  	s0 =	simm.s32 @!p0 $0xD  }
0x169: {  	_ =	swait.ge @!p0 [sflag:s0], s1  }
0x16a: {  	s1 =	ssub.s32 @!p0 $0x0, s1;
	[sflag:s0] =	ssyncset.done @!p0 $0x0  }
0x16b: {  	[sflag:s0] =	ssyncadd.s32 @!p0 s1  }
0x16c: {  	[bflag:$0x3] =	sbarrier.arrive $0xFFFF  }
0x16d: {  	_ =	shalt  }

</sc_bundles>
